<compile_context>
chip_gen: v7x
topology: tpu7x:2x2x1
jax: 0.10.2.dev20260603
libtpu: 0.0.44.dev20260713+nightly
codegen_flags: <defaults>
</compile_context>

<pallas_src>
import functools

import jax
import jax.numpy as jnp
from jax import lax
from jax.experimental import pallas as pl
from jax.experimental.pallas import tpu as pltpu
from jax.experimental.pallas import tpu_sc as plsc

_NC = 2
_NS = 16
_L = 16
_NBUF = 3


def _sc_scatter_partials(idx1, upd1, Mp):
    n = idx1.shape[0]
    NW = _NC * _NS
    B = 8192
    per_w = n // NW
    nblk = per_w // B
    ZB = 2048
    per_s = Mp // _NS

    mesh = plsc.VectorSubcoreMesh(
        core_axis_name="c", subcore_axis_name="s",
        num_cores=_NC, num_subcores=_NS)

    scratch = []
    for _ in range(_NBUF):
        scratch += [pltpu.VMEM((B,), jnp.int32),
                    pltpu.VMEM((B,), jnp.float32),
                    pltpu.SemaphoreType.DMA,
                    pltpu.SemaphoreType.DMA]
    scratch += [pltpu.VMEM((ZB,), jnp.float32),
                pltpu.VMEM_SHARED((Mp,), jnp.float32),
                pltpu.SemaphoreType.DMA]

    @functools.partial(
        pl.kernel,
        out_type=[jax.ShapeDtypeStruct((Mp,), jnp.float32),
                  jax.ShapeDtypeStruct((Mp,), jnp.float32)],
        mesh=mesh,
        scratch_types=scratch,
    )
    def k(idx_hbm, upd_hbm, out0, out1, *rest):
        bufs = tuple(rest[4 * i:4 * i + 4] for i in range(_NBUF))
        zero_v = rest[4 * _NBUF]
        acc = rest[4 * _NBUF + 1]
        sem_z = rest[4 * _NBUF + 2]
        c = lax.axis_index("c")
        s = lax.axis_index("s")
        w = c * _NS + s

        def stage(b):
            iv, uv, sem_st, _ = bufs[b % _NBUF]
            base = (w * nblk + b) * B
            ci = pltpu.async_copy(idx_hbm.at[pl.ds(base, B)], iv, sem_st)
            cu = pltpu.async_copy(upd_hbm.at[pl.ds(base, B)], uv, sem_st)
            return ci, cu

        pend = {0: stage(0)}
        if nblk > 1:
            pend[1] = stage(1)

        def zstore(i, carry):
            zero_v[pl.ds(i * _L, _L)] = jnp.zeros((_L,), jnp.float32)
            return carry
        lax.fori_loop(0, ZB // _L, zstore, 0)

        zcps = [pltpu.async_copy(
                    zero_v, acc.at[pl.ds(s * per_s + i * ZB, ZB)], sem_z)
                for i in range(per_s // ZB)]
        for cp in zcps:
            cp.wait()
        plsc.subcore_barrier()

        scat = {}
        for b in range(nblk):
            iv, uv, _, sem_sc = bufs[b % _NBUF]
            ci, cu = pend.pop(b)
            ci.wait()
            cu.wait()
            scat[b] = pltpu.async_copy(uv, acc.at[iv], sem_sc, add=True)
            if b + 2 < nblk:
                if b >= 1:
                    scat.pop(b - 1).wait()
                pend[b + 2] = stage(b + 2)
        for b in sorted(scat):
            scat.pop(b).wait()
        plsc.subcore_barrier()

        @pl.when(c == 0)
        def _():
            pltpu.sync_copy(acc.at[pl.ds(s * per_s, per_s)],
                            out0.at[pl.ds(s * per_s, per_s)])

        @pl.when(c == 1)
        def _():
            pltpu.sync_copy(acc.at[pl.ds(s * per_s, per_s)],
                            out1.at[pl.ds(s * per_s, per_s)])

    return k(idx1, upd1)


def _combine(d, a, b):
    M = d.shape[0]
    Mp = a.shape[0]
    BLK = Mp // 2

    def body(d_ref, a_ref, b_ref, o_ref):
        o_ref[...] = d_ref[...] + a_ref[...] + b_ref[...]

    return pl.pallas_call(
        body,
        grid=(Mp // BLK,),
        in_specs=[pl.BlockSpec((BLK,), lambda i: (i,))] * 3,
        out_specs=pl.BlockSpec((BLK,), lambda i: (i,)),
        out_shape=jax.ShapeDtypeStruct((M,), jnp.float32),
    )(d, a, b)


def kernel(data, indices, updates):
    Mp = 1 << 20
    q0, q1 = _sc_scatter_partials(indices.astype(jnp.int32), updates, Mp)
    return _combine(data, q0, q1)

# --- scband reference (transcript-rebuilt; emitter-appended) ---
"""Pipeline reference for scband-model-11879879543613 (READ-ONLY COPY).

The authoritative reference and input builder live on the scoring server;
editing this copy changes nothing except your own understanding.
"""

import jax, jax.numpy as jnp
import numpy as np

M = 1000000
N = 4194304

def setup_inputs(seed: int = 0) -> dict:
    key = jax.random.key(seed)
    k1, k2 = jax.random.split(key)
    data = jnp.zeros((M,), dtype=jnp.float32)
    indices = jax.random.randint(k1, (N,), 0, M, dtype=jnp.int64 if jax.config.jax_enable_x64 else jnp.int32).astype(jnp.int32)
    updates = jax.random.normal(k2, (N,), dtype=jnp.float32)
    return {"data": data, "indices": indices, "updates": updates}

def reference(data, indices, updates):
    # torch.scatter_add(data, 0, indices, updates) for 1-D tensors:
    # out[indices[i]] += updates[i], starting from data
    return data.at[indices].add(updates)

if __name__ == "__main__":
    import jax
    _d = setup_inputs()
    print(jax.jit(kernel)(*tuple(_d.values())))

</pallas_src>

<mosaic_0001>
#map = affine_map<(d0, d1) -> (0)>
module attributes {stable_mosaic.version = 14 : i64} {
  func.func @k(%arg0: i32, %arg1: i32, %arg2: memref<4194304xi32, #tpu.memory_space<hbm>>, %arg3: memref<4194304xf32, #tpu.memory_space<hbm>>, %arg4: memref<1048576xf32, #tpu.memory_space<hbm>>, %arg5: memref<1048576xf32, #tpu.memory_space<hbm>>, %arg6: memref<8192xi32, #tpu.memory_space<vmem>>, %arg7: memref<8192xf32, #tpu.memory_space<vmem>>, %arg8: memref<!tpu.dma_semaphore, #tpu.memory_space<semaphore_mem>>, %arg9: memref<!tpu.dma_semaphore, #tpu.memory_space<semaphore_mem>>, %arg10: memref<8192xi32, #tpu.memory_space<vmem>>, %arg11: memref<8192xf32, #tpu.memory_space<vmem>>, %arg12: memref<!tpu.dma_semaphore, #tpu.memory_space<semaphore_mem>>, %arg13: memref<!tpu.dma_semaphore, #tpu.memory_space<semaphore_mem>>, %arg14: memref<8192xi32, #tpu.memory_space<vmem>>, %arg15: memref<8192xf32, #tpu.memory_space<vmem>>, %arg16: memref<!tpu.dma_semaphore, #tpu.memory_space<semaphore_mem>>, %arg17: memref<!tpu.dma_semaphore, #tpu.memory_space<semaphore_mem>>, %arg18: memref<2048xf32, #tpu.memory_space<vmem>>, %arg19: memref<1048576xf32, #tpu.memory_space<vmem_shared>>, %arg20: memref<!tpu.dma_semaphore, #tpu.memory_space<semaphore_mem>>) attributes {dimension_semantics = [#tpu.dimension_semantics<core_parallel>, #tpu.dimension_semantics<subcore_parallel>], iteration_bounds = array<i64: 2, 16>, scalar_prefetch = 0 : i64, scratch_operands = 15 : i64, tpu.core_type = #tpu.core_type<sc_vector_subcore>, window_params = [{transform_indices = #map}, {transform_indices = #map}, {transform_indices = #map}, {transform_indices = #map}]} {
    %mul3A = arith.constant 16 : i32
    %mul3A_0 = arith.muli %arg0, %mul3A : i32
    %add3A = arith.addi %mul3A_0, %arg1 : i32
    %mul3A_1 = arith.constant 16 : i32
    %mul3A_2 = arith.muli %add3A, %mul3A_1 : i32
    %add3A_3 = arith.constant 0 : i32
    %add3A_4 = arith.addi %mul3A_2, %add3A_3 : i32
    %mul3A_5 = arith.constant 8192 : i32
    %mul3A_6 = arith.muli %add3A_4, %mul3A_5 : i32
    %dma_start3A = tpu.memref_slice %arg2[%mul3A_6] : memref<4194304xi32, #tpu.memory_space<hbm>> -> memref<8192xi32, #tpu.memory_space<hbm>>
    %dma_start3A_7 = tpu.memref_slice %arg2[%mul3A_6] : memref<4194304xi32, #tpu.memory_space<hbm>> -> memref<8192xi32, #tpu.memory_space<hbm>>
    tpu.enqueue_dma source(%dma_start3A_7 : memref<8192xi32, #tpu.memory_space<hbm>>) target(%arg6 : memref<8192xi32, #tpu.memory_space<vmem>>) target_semaphore(%arg8 : memref<!tpu.dma_semaphore, #tpu.memory_space<semaphore_mem>>)
    %dma_start3A_8 = tpu.memref_slice %arg3[%mul3A_6] : memref<4194304xf32, #tpu.memory_space<hbm>> -> memref<8192xf32, #tpu.memory_space<hbm>>
    %dma_start3A_9 = tpu.memref_slice %arg3[%mul3A_6] : memref<4194304xf32, #tpu.memory_space<hbm>> -> memref<8192xf32, #tpu.memory_space<hbm>>
    tpu.enqueue_dma source(%dma_start3A_9 : memref<8192xf32, #tpu.memory_space<hbm>>) target(%arg7 : memref<8192xf32, #tpu.memory_space<vmem>>) target_semaphore(%arg8 : memref<!tpu.dma_semaphore, #tpu.memory_space<semaphore_mem>>)
    %mul3A_10 = arith.constant 16 : i32
    %mul3A_11 = arith.muli %add3A, %mul3A_10 : i32
    %add3A_12 = arith.constant 1 : i32
    %add3A_13 = arith.addi %mul3A_11, %add3A_12 : i32
    %mul3A_14 = arith.constant 8192 : i32
    %mul3A_15 = arith.muli %add3A_13, %mul3A_14 : i32
    %dma_start3A_16 = tpu.memref_slice %arg2[%mul3A_15] : memref<4194304xi32, #tpu.memory_space<hbm>> -> memref<8192xi32, #tpu.memory_space<hbm>>
    %dma_start3A_17 = tpu.memref_slice %arg2[%mul3A_15] : memref<4194304xi32, #tpu.memory_space<hbm>> -> memref<8192xi32, #tpu.memory_space<hbm>>
    tpu.enqueue_dma source(%dma_start3A_17 : memref<8192xi32, #tpu.memory_space<hbm>>) target(%arg10 : memref<8192xi32, #tpu.memory_space<vmem>>) target_semaphore(%arg12 : memref<!tpu.dma_semaphore, #tpu.memory_space<semaphore_mem>>)
    %dma_start3A_18 = tpu.memref_slice %arg3[%mul3A_15] : memref<4194304xf32, #tpu.memory_space<hbm>> -> memref<8192xf32, #tpu.memory_space<hbm>>
    %dma_start3A_19 = tpu.memref_slice %arg3[%mul3A_15] : memref<4194304xf32, #tpu.memory_space<hbm>> -> memref<8192xf32, #tpu.memory_space<hbm>>
    tpu.enqueue_dma source(%dma_start3A_19 : memref<8192xf32, #tpu.memory_space<hbm>>) target(%arg11 : memref<8192xf32, #tpu.memory_space<vmem>>) target_semaphore(%arg12 : memref<!tpu.dma_semaphore, #tpu.memory_space<semaphore_mem>>)
    %scan3A = arith.constant 0 : i32
    %scan3A_20 = arith.constant 0 : i32
    %scan3A_21 = arith.constant 128 : i32
    %scan3A_22 = arith.addi %scan3A_20, %scan3A_21 : i32
    %scan3A_23 = arith.constant 1 : i32
    scf.for %scan3A_556 = %scan3A_20 to %scan3A_22 step %scan3A_23  : i32 {
      %broadcast_in_dim3A = arith.constant 0.000000e+00 : f32
      %broadcast_in_dim3A_557 = vector.broadcast %broadcast_in_dim3A : f32 to vector<16xf32>
      %mul3A_558 = arith.constant 16 : i32
      %mul3A_559 = arith.muli %scan3A_556, %mul3A_558 : i32
      %swap3A = arith.index_cast %mul3A_559 : i32 to index
      %swap3A_560 = tpu.vector_load %arg18[%swap3A] {strides = array<i32>} : memref<2048xf32, #tpu.memory_space<vmem>>, vector<16xf32>,
      %swap3A_561 = vector.shape_cast %swap3A_560 : vector<16xf32> to vector<16xf32>
      %swap3A_562 = vector.shape_cast %broadcast_in_dim3A_557 : vector<16xf32> to vector<16xf32>
      tpu.vector_store %arg18[%swap3A], %swap3A_562 {strides = array<i32>} : memref<2048xf32, #tpu.memory_space<vmem>>, vector<16xf32>,
    }
    %scan3A_24 = arith.constant 128 : i32
    %mul3A_25 = arith.constant 65536 : i32
    %mul3A_26 = arith.muli %arg1, %mul3A_25 : i32
    %add3A_27 = arith.constant 0 : i32
    %add3A_28 = arith.addi %mul3A_26, %add3A_27 : i32
    %dma_start3A_29 = tpu.memref_slice %arg19[%add3A_28] : memref<1048576xf32, #tpu.memory_space<vmem_shared>> -> memref<2048xf32, #tpu.memory_space<vmem_shared>>
    %dma_start3A_30 = tpu.memref_slice %arg19[%add3A_28] : memref<1048576xf32, #tpu.memory_space<vmem_shared>> -> memref<2048xf32, #tpu.memory_space<vmem_shared>>
    tpu.enqueue_dma source(%arg18 : memref<2048xf32, #tpu.memory_space<vmem>>) target(%dma_start3A_30 : memref<2048xf32, #tpu.memory_space<vmem_shared>>) target_semaphore(%arg20 : memref<!tpu.dma_semaphore, #tpu.memory_space<semaphore_mem>>)
    %mul3A_31 = arith.constant 65536 : i32
    %mul3A_32 = arith.muli %arg1, %mul3A_31 : i32
    %add3A_33 = arith.constant 2048 : i32
    %add3A_34 = arith.addi %mul3A_32, %add3A_33 : i32
    %dma_start3A_35 = tpu.memref_slice %arg19[%add3A_34] : memref<1048576xf32, #tpu.memory_space<vmem_shared>> -> memref<2048xf32, #tpu.memory_space<vmem_shared>>
    %dma_start3A_36 = tpu.memref_slice %arg19[%add3A_34] : memref<1048576xf32, #tpu.memory_space<vmem_shared>> -> memref<2048xf32, #tpu.memory_space<vmem_shared>>
    tpu.enqueue_dma source(%arg18 : memref<2048xf32, #tpu.memory_space<vmem>>) target(%dma_start3A_36 : memref<2048xf32, #tpu.memory_space<vmem_shared>>) target_semaphore(%arg20 : memref<!tpu.dma_semaphore, #tpu.memory_space<semaphore_mem>>)
    %mul3A_37 = arith.constant 65536 : i32
    %mul3A_38 = arith.muli %arg1, %mul3A_37 : i32
    %add3A_39 = arith.constant 4096 : i32
    %add3A_40 = arith.addi %mul3A_38, %add3A_39 : i32
    %dma_start3A_41 = tpu.memref_slice %arg19[%add3A_40] : memref<1048576xf32, #tpu.memory_space<vmem_shared>> -> memref<2048xf32, #tpu.memory_space<vmem_shared>>
    %dma_start3A_42 = tpu.memref_slice %arg19[%add3A_40] : memref<1048576xf32, #tpu.memory_space<vmem_shared>> -> memref<2048xf32, #tpu.memory_space<vmem_shared>>
    tpu.enqueue_dma source(%arg18 : memref<2048xf32, #tpu.memory_space<vmem>>) target(%dma_start3A_42 : memref<2048xf32, #tpu.memory_space<vmem_shared>>) target_semaphore(%arg20 : memref<!tpu.dma_semaphore, #tpu.memory_space<semaphore_mem>>)
    %mul3A_43 = arith.constant 65536 : i32
    %mul3A_44 = arith.muli %arg1, %mul3A_43 : i32
    %add3A_45 = arith.constant 6144 : i32
    %add3A_46 = arith.addi %mul3A_44, %add3A_45 : i32
    %dma_start3A_47 = tpu.memref_slice %arg19[%add3A_46] : memref<1048576xf32, #tpu.memory_space<vmem_shared>> -> memref<2048xf32, #tpu.memory_space<vmem_shared>>
    %dma_start3A_48 = tpu.memref_slice %arg19[%add3A_46] : memref<1048576xf32, #tpu.memory_space<vmem_shared>> -> memref<2048xf32, #tpu.memory_space<vmem_shared>>
    tpu.enqueue_dma source(%arg18 : memref<2048xf32, #tpu.memory_space<vmem>>) target(%dma_start3A_48 : memref<2048xf32, #tpu.memory_space<vmem_shared>>) target_semaphore(%arg20 : memref<!tpu.dma_semaphore, #tpu.memory_space<semaphore_mem>>)
    %mul3A_49 = arith.constant 65536 : i32
    %mul3A_50 = arith.muli %arg1, %mul3A_49 : i32
    %add3A_51 = arith.constant 8192 : i32
    %add3A_52 = arith.addi %mul3A_50, %add3A_51 : i32
    %dma_start3A_53 = tpu.memref_slice %arg19[%add3A_52] : memref<1048576xf32, #tpu.memory_space<vmem_shared>> -> memref<2048xf32, #tpu.memory_space<vmem_shared>>
    %dma_start3A_54 = tpu.memref_slice %arg19[%add3A_52] : memref<1048576xf32, #tpu.memory_space<vmem_shared>> -> memref<2048xf32, #tpu.memory_space<vmem_shared>>
    tpu.enqueue_dma source(%arg18 : memref<2048xf32, #tpu.memory_space<vmem>>) target(%dma_start3A_54 : memref<2048xf32, #tpu.memory_space<vmem_shared>>) target_semaphore(%arg20 : memref<!tpu.dma_semaphore, #tpu.memory_space<semaphore_mem>>)
    %mul3A_55 = arith.constant 65536 : i32
    %mul3A_56 = arith.muli %arg1, %mul3A_55 : i32
    %add3A_57 = arith.constant 10240 : i32
    %add3A_58 = arith.addi %mul3A_56, %add3A_57 : i32
    %dma_start3A_59 = tpu.memref_slice %arg19[%add3A_58] : memref<1048576xf32, #tpu.memory_space<vmem_shared>> -> memref<2048xf32, #tpu.memory_space<vmem_shared>>
    %dma_start3A_60 = tpu.memref_slice %arg19[%add3A_58] : memref<1048576xf32, #tpu.memory_space<vmem_shared>> -> memref<2048xf32, #tpu.memory_space<vmem_shared>>
    tpu.enqueue_dma source(%arg18 : memref<2048xf32, #tpu.memory_space<vmem>>) target(%dma_start3A_60 : memref<2048xf32, #tpu.memory_space<vmem_shared>>) target_semaphore(%arg20 : memref<!tpu.dma_semaphore, #tpu.memory_space<semaphore_mem>>)
    %mul3A_61 = arith.constant 65536 : i32
    %mul3A_62 = arith.muli %arg1, %mul3A_61 : i32
    %add3A_63 = arith.constant 12288 : i32
    %add3A_64 = arith.addi %mul3A_62, %add3A_63 : i32
    %dma_start3A_65 = tpu.memref_slice %arg19[%add3A_64] : memref<1048576xf32, #tpu.memory_space<vmem_shared>> -> memref<2048xf32, #tpu.memory_space<vmem_shared>>
    %dma_start3A_66 = tpu.memref_slice %arg19[%add3A_64] : memref<1048576xf32, #tpu.memory_space<vmem_shared>> -> memref<2048xf32, #tpu.memory_space<vmem_shared>>
    tpu.enqueue_dma source(%arg18 : memref<2048xf32, #tpu.memory_space<vmem>>) target(%dma_start3A_66 : memref<2048xf32, #tpu.memory_space<vmem_shared>>) target_semaphore(%arg20 : memref<!tpu.dma_semaphore, #tpu.memory_space<semaphore_mem>>)
    %mul3A_67 = arith.constant 65536 : i32
    %mul3A_68 = arith.muli %arg1, %mul3A_67 : i32
    %add3A_69 = arith.constant 14336 : i32
    %add3A_70 = arith.addi %mul3A_68, %add3A_69 : i32
    %dma_start3A_71 = tpu.memref_slice %arg19[%add3A_70] : memref<1048576xf32, #tpu.memory_space<vmem_shared>> -> memref<2048xf32, #tpu.memory_space<vmem_shared>>
    %dma_start3A_72 = tpu.memref_slice %arg19[%add3A_70] : memref<1048576xf32, #tpu.memory_space<vmem_shared>> -> memref<2048xf32, #tpu.memory_space<vmem_shared>>
    tpu.enqueue_dma source(%arg18 : memref<2048xf32, #tpu.memory_space<vmem>>) target(%dma_start3A_72 : memref<2048xf32, #tpu.memory_space<vmem_shared>>) target_semaphore(%arg20 : memref<!tpu.dma_semaphore, #tpu.memory_space<semaphore_mem>>)
    %mul3A_73 = arith.constant 65536 : i32
    %mul3A_74 = arith.muli %arg1, %mul3A_73 : i32
    %add3A_75 = arith.constant 16384 : i32
    %add3A_76 = arith.addi %mul3A_74, %add3A_75 : i32
    %dma_start3A_77 = tpu.memref_slice %arg19[%add3A_76] : memref<1048576xf32, #tpu.memory_space<vmem_shared>> -> memref<2048xf32, #tpu.memory_space<vmem_shared>>
    %dma_start3A_78 = tpu.memref_slice %arg19[%add3A_76] : memref<1048576xf32, #tpu.memory_space<vmem_shared>> -> memref<2048xf32, #tpu.memory_space<vmem_shared>>
    tpu.enqueue_dma source(%arg18 : memref<2048xf32, #tpu.memory_space<vmem>>) target(%dma_start3A_78 : memref<2048xf32, #tpu.memory_space<vmem_shared>>) target_semaphore(%arg20 : memref<!tpu.dma_semaphore, #tpu.memory_space<semaphore_mem>>)
    %mul3A_79 = arith.constant 65536 : i32
    %mul3A_80 = arith.muli %arg1, %mul3A_79 : i32
    %add3A_81 = arith.constant 18432 : i32
    %add3A_82 = arith.addi %mul3A_80, %add3A_81 : i32
    %dma_start3A_83 = tpu.memref_slice %arg19[%add3A_82] : memref<1048576xf32, #tpu.memory_space<vmem_shared>> -> memref<2048xf32, #tpu.memory_space<vmem_shared>>
    %dma_start3A_84 = tpu.memref_slice %arg19[%add3A_82] : memref<1048576xf32, #tpu.memory_space<vmem_shared>> -> memref<2048xf32, #tpu.memory_space<vmem_shared>>
    tpu.enqueue_dma source(%arg18 : memref<2048xf32, #tpu.memory_space<vmem>>) target(%dma_start3A_84 : memref<2048xf32, #tpu.memory_space<vmem_shared>>) target_semaphore(%arg20 : memref<!tpu.dma_semaphore, #tpu.memory_space<semaphore_mem>>)
    %mul3A_85 = arith.constant 65536 : i32
    %mul3A_86 = arith.muli %arg1, %mul3A_85 : i32
    %add3A_87 = arith.constant 20480 : i32
    %add3A_88 = arith.addi %mul3A_86, %add3A_87 : i32
    %dma_start3A_89 = tpu.memref_slice %arg19[%add3A_88] : memref<1048576xf32, #tpu.memory_space<vmem_shared>> -> memref<2048xf32, #tpu.memory_space<vmem_shared>>
    %dma_start3A_90 = tpu.memref_slice %arg19[%add3A_88] : memref<1048576xf32, #tpu.memory_space<vmem_shared>> -> memref<2048xf32, #tpu.memory_space<vmem_shared>>
    tpu.enqueue_dma source(%arg18 : memref<2048xf32, #tpu.memory_space<vmem>>) target(%dma_start3A_90 : memref<2048xf32, #tpu.memory_space<vmem_shared>>) target_semaphore(%arg20 : memref<!tpu.dma_semaphore, #tpu.memory_space<semaphore_mem>>)
    %mul3A_91 = arith.constant 65536 : i32
    %mul3A_92 = arith.muli %arg1, %mul3A_91 : i32
    %add3A_93 = arith.constant 22528 : i32
    %add3A_94 = arith.addi %mul3A_92, %add3A_93 : i32
    %dma_start3A_95 = tpu.memref_slice %arg19[%add3A_94] : memref<1048576xf32, #tpu.memory_space<vmem_shared>> -> memref<2048xf32, #tpu.memory_space<vmem_shared>>
    %dma_start3A_96 = tpu.memref_slice %arg19[%add3A_94] : memref<1048576xf32, #tpu.memory_space<vmem_shared>> -> memref<2048xf32, #tpu.memory_space<vmem_shared>>
    tpu.enqueue_dma source(%arg18 : memref<2048xf32, #tpu.memory_space<vmem>>) target(%dma_start3A_96 : memref<2048xf32, #tpu.memory_space<vmem_shared>>) target_semaphore(%arg20 : memref<!tpu.dma_semaphore, #tpu.memory_space<semaphore_mem>>)
    %mul3A_97 = arith.constant 65536 : i32
    %mul3A_98 = arith.muli %arg1, %mul3A_97 : i32
    %add3A_99 = arith.constant 24576 : i32
    %add3A_100 = arith.addi %mul3A_98, %add3A_99 : i32
    %dma_start3A_101 = tpu.memref_slice %arg19[%add3A_100] : memref<1048576xf32, #tpu.memory_space<vmem_shared>> -> memref<2048xf32, #tpu.memory_space<vmem_shared>>
    %dma_start3A_102 = tpu.memref_slice %arg19[%add3A_100] : memref<1048576xf32, #tpu.memory_space<vmem_shared>> -> memref<2048xf32, #tpu.memory_space<vmem_shared>>
    tpu.enqueue_dma source(%arg18 : memref<2048xf32, #tpu.memory_space<vmem>>) target(%dma_start3A_102 : memref<2048xf32, #tpu.memory_space<vmem_shared>>) target_semaphore(%arg20 : memref<!tpu.dma_semaphore, #tpu.memory_space<semaphore_mem>>)
    %mul3A_103 = arith.constant 65536 : i32
    %mul3A_104 = arith.muli %arg1, %mul3A_103 : i32
    %add3A_105 = arith.constant 26624 : i32
    %add3A_106 = arith.addi %mul3A_104, %add3A_105 : i32
    %dma_start3A_107 = tpu.memref_slice %arg19[%add3A_106] : memref<1048576xf32, #tpu.memory_space<vmem_shared>> -> memref<2048xf32, #tpu.memory_space<vmem_shared>>
    %dma_start3A_108 = tpu.memref_slice %arg19[%add3A_106] : memref<1048576xf32, #tpu.memory_space<vmem_shared>> -> memref<2048xf32, #tpu.memory_space<vmem_shared>>
    tpu.enqueue_dma source(%arg18 : memref<2048xf32, #tpu.memory_space<vmem>>) target(%dma_start3A_108 : memref<2048xf32, #tpu.memory_space<vmem_shared>>) target_semaphore(%arg20 : memref<!tpu.dma_semaphore, #tpu.memory_space<semaphore_mem>>)
    %mul3A_109 = arith.constant 65536 : i32
    %mul3A_110 = arith.muli %arg1, %mul3A_109 : i32
    %add3A_111 = arith.constant 28672 : i32
    %add3A_112 = arith.addi %mul3A_110, %add3A_111 : i32
    %dma_start3A_113 = tpu.memref_slice %arg19[%add3A_112] : memref<1048576xf32, #tpu.memory_space<vmem_shared>> -> memref<2048xf32, #tpu.memory_space<vmem_shared>>
    %dma_start3A_114 = tpu.memref_slice %arg19[%add3A_112] : memref<1048576xf32, #tpu.memory_space<vmem_shared>> -> memref<2048xf32, #tpu.memory_space<vmem_shared>>
    tpu.enqueue_dma source(%arg18 : memref<2048xf32, #tpu.memory_space<vmem>>) target(%dma_start3A_114 : memref<2048xf32, #tpu.memory_space<vmem_shared>>) target_semaphore(%arg20 : memref<!tpu.dma_semaphore, #tpu.memory_space<semaphore_mem>>)
    %mul3A_115 = arith.constant 65536 : i32
    %mul3A_116 = arith.muli %arg1, %mul3A_115 : i32
    %add3A_117 = arith.constant 30720 : i32
    %add3A_118 = arith.addi %mul3A_116, %add3A_117 : i32
    %dma_start3A_119 = tpu.memref_slice %arg19[%add3A_118] : memref<1048576xf32, #tpu.memory_space<vmem_shared>> -> memref<2048xf32, #tpu.memory_space<vmem_shared>>
    %dma_start3A_120 = tpu.memref_slice %arg19[%add3A_118] : memref<1048576xf32, #tpu.memory_space<vmem_shared>> -> memref<2048xf32, #tpu.memory_space<vmem_shared>>
    tpu.enqueue_dma source(%arg18 : memref<2048xf32, #tpu.memory_space<vmem>>) target(%dma_start3A_120 : memref<2048xf32, #tpu.memory_space<vmem_shared>>) target_semaphore(%arg20 : memref<!tpu.dma_semaphore, #tpu.memory_space<semaphore_mem>>)
    %mul3A_121 = arith.constant 65536 : i32
    %mul3A_122 = arith.muli %arg1, %mul3A_121 : i32
    %add3A_123 = arith.constant 32768 : i32
    %add3A_124 = arith.addi %mul3A_122, %add3A_123 : i32
    %dma_start3A_125 = tpu.memref_slice %arg19[%add3A_124] : memref<1048576xf32, #tpu.memory_space<vmem_shared>> -> memref<2048xf32, #tpu.memory_space<vmem_shared>>
    %dma_start3A_126 = tpu.memref_slice %arg19[%add3A_124] : memref<1048576xf32, #tpu.memory_space<vmem_shared>> -> memref<2048xf32, #tpu.memory_space<vmem_shared>>
    tpu.enqueue_dma source(%arg18 : memref<2048xf32, #tpu.memory_space<vmem>>) target(%dma_start3A_126 : memref<2048xf32, #tpu.memory_space<vmem_shared>>) target_semaphore(%arg20 : memref<!tpu.dma_semaphore, #tpu.memory_space<semaphore_mem>>)
    %mul3A_127 = arith.constant 65536 : i32
    %mul3A_128 = arith.muli %arg1, %mul3A_127 : i32
    %add3A_129 = arith.constant 34816 : i32
    %add3A_130 = arith.addi %mul3A_128, %add3A_129 : i32
    %dma_start3A_131 = tpu.memref_slice %arg19[%add3A_130] : memref<1048576xf32, #tpu.memory_space<vmem_shared>> -> memref<2048xf32, #tpu.memory_space<vmem_shared>>
    %dma_start3A_132 = tpu.memref_slice %arg19[%add3A_130] : memref<1048576xf32, #tpu.memory_space<vmem_shared>> -> memref<2048xf32, #tpu.memory_space<vmem_shared>>
    tpu.enqueue_dma source(%arg18 : memref<2048xf32, #tpu.memory_space<vmem>>) target(%dma_start3A_132 : memref<2048xf32, #tpu.memory_space<vmem_shared>>) target_semaphore(%arg20 : memref<!tpu.dma_semaphore, #tpu.memory_space<semaphore_mem>>)
    %mul3A_133 = arith.constant 65536 : i32
    %mul3A_134 = arith.muli %arg1, %mul3A_133 : i32
    %add3A_135 = arith.constant 36864 : i32
    %add3A_136 = arith.addi %mul3A_134, %add3A_135 : i32
    %dma_start3A_137 = tpu.memref_slice %arg19[%add3A_136] : memref<1048576xf32, #tpu.memory_space<vmem_shared>> -> memref<2048xf32, #tpu.memory_space<vmem_shared>>
    %dma_start3A_138 = tpu.memref_slice %arg19[%add3A_136] : memref<1048576xf32, #tpu.memory_space<vmem_shared>> -> memref<2048xf32, #tpu.memory_space<vmem_shared>>
    tpu.enqueue_dma source(%arg18 : memref<2048xf32, #tpu.memory_space<vmem>>) target(%dma_start3A_138 : memref<2048xf32, #tpu.memory_space<vmem_shared>>) target_semaphore(%arg20 : memref<!tpu.dma_semaphore, #tpu.memory_space<semaphore_mem>>)
    %mul3A_139 = arith.constant 65536 : i32
    %mul3A_140 = arith.muli %arg1, %mul3A_139 : i32
    %add3A_141 = arith.constant 38912 : i32
    %add3A_142 = arith.addi %mul3A_140, %add3A_141 : i32
    %dma_start3A_143 = tpu.memref_slice %arg19[%add3A_142] : memref<1048576xf32, #tpu.memory_space<vmem_shared>> -> memref<2048xf32, #tpu.memory_space<vmem_shared>>
    %dma_start3A_144 = tpu.memref_slice %arg19[%add3A_142] : memref<1048576xf32, #tpu.memory_space<vmem_shared>> -> memref<2048xf32, #tpu.memory_space<vmem_shared>>
    tpu.enqueue_dma source(%arg18 : memref<2048xf32, #tpu.memory_space<vmem>>) target(%dma_start3A_144 : memref<2048xf32, #tpu.memory_space<vmem_shared>>) target_semaphore(%arg20 : memref<!tpu.dma_semaphore, #tpu.memory_space<semaphore_mem>>)
    %mul3A_145 = arith.constant 65536 : i32
    %mul3A_146 = arith.muli %arg1, %mul3A_145 : i32
    %add3A_147 = arith.constant 40960 : i32
    %add3A_148 = arith.addi %mul3A_146, %add3A_147 : i32
    %dma_start3A_149 = tpu.memref_slice %arg19[%add3A_148] : memref<1048576xf32, #tpu.memory_space<vmem_shared>> -> memref<2048xf32, #tpu.memory_space<vmem_shared>>
    %dma_start3A_150 = tpu.memref_slice %arg19[%add3A_148] : memref<1048576xf32, #tpu.memory_space<vmem_shared>> -> memref<2048xf32, #tpu.memory_space<vmem_shared>>
    tpu.enqueue_dma source(%arg18 : memref<2048xf32, #tpu.memory_space<vmem>>) target(%dma_start3A_150 : memref<2048xf32, #tpu.memory_space<vmem_shared>>) target_semaphore(%arg20 : memref<!tpu.dma_semaphore, #tpu.memory_space<semaphore_mem>>)
    %mul3A_151 = arith.constant 65536 : i32
    %mul3A_152 = arith.muli %arg1, %mul3A_151 : i32
    %add3A_153 = arith.constant 43008 : i32
    %add3A_154 = arith.addi %mul3A_152, %add3A_153 : i32
    %dma_start3A_155 = tpu.memref_slice %arg19[%add3A_154] : memref<1048576xf32, #tpu.memory_space<vmem_shared>> -> memref<2048xf32, #tpu.memory_space<vmem_shared>>
    %dma_start3A_156 = tpu.memref_slice %arg19[%add3A_154] : memref<1048576xf32, #tpu.memory_space<vmem_shared>> -> memref<2048xf32, #tpu.memory_space<vmem_shared>>
    tpu.enqueue_dma source(%arg18 : memref<2048xf32, #tpu.memory_space<vmem>>) target(%dma_start3A_156 : memref<2048xf32, #tpu.memory_space<vmem_shared>>) target_semaphore(%arg20 : memref<!tpu.dma_semaphore, #tpu.memory_space<semaphore_mem>>)
    %mul3A_157 = arith.constant 65536 : i32
    %mul3A_158 = arith.muli %arg1, %mul3A_157 : i32
    %add3A_159 = arith.constant 45056 : i32
    %add3A_160 = arith.addi %mul3A_158, %add3A_159 : i32
    %dma_start3A_161 = tpu.memref_slice %arg19[%add3A_160] : memref<1048576xf32, #tpu.memory_space<vmem_shared>> -> memref<2048xf32, #tpu.memory_space<vmem_shared>>
    %dma_start3A_162 = tpu.memref_slice %arg19[%add3A_160] : memref<1048576xf32, #tpu.memory_space<vmem_shared>> -> memref<2048xf32, #tpu.memory_space<vmem_shared>>
    tpu.enqueue_dma source(%arg18 : memref<2048xf32, #tpu.memory_space<vmem>>) target(%dma_start3A_162 : memref<2048xf32, #tpu.memory_space<vmem_shared>>) target_semaphore(%arg20 : memref<!tpu.dma_semaphore, #tpu.memory_space<semaphore_mem>>)
    %mul3A_163 = arith.constant 65536 : i32
    %mul3A_164 = arith.muli %arg1, %mul3A_163 : i32
    %add3A_165 = arith.constant 47104 : i32
    %add3A_166 = arith.addi %mul3A_164, %add3A_165 : i32
    %dma_start3A_167 = tpu.memref_slice %arg19[%add3A_166] : memref<1048576xf32, #tpu.memory_space<vmem_shared>> -> memref<2048xf32, #tpu.memory_space<vmem_shared>>
    %dma_start3A_168 = tpu.memref_slice %arg19[%add3A_166] : memref<1048576xf32, #tpu.memory_space<vmem_shared>> -> memref<2048xf32, #tpu.memory_space<vmem_shared>>
    tpu.enqueue_dma source(%arg18 : memref<2048xf32, #tpu.memory_space<vmem>>) target(%dma_start3A_168 : memref<2048xf32, #tpu.memory_space<vmem_shared>>) target_semaphore(%arg20 : memref<!tpu.dma_semaphore, #tpu.memory_space<semaphore_mem>>)
    %mul3A_169 = arith.constant 65536 : i32
    %mul3A_170 = arith.muli %arg1, %mul3A_169 : i32
    %add3A_171 = arith.constant 49152 : i32
    %add3A_172 = arith.addi %mul3A_170, %add3A_171 : i32
    %dma_start3A_173 = tpu.memref_slice %arg19[%add3A_172] : memref<1048576xf32, #tpu.memory_space<vmem_shared>> -> memref<2048xf32, #tpu.memory_space<vmem_shared>>
    %dma_start3A_174 = tpu.memref_slice %arg19[%add3A_172] : memref<1048576xf32, #tpu.memory_space<vmem_shared>> -> memref<2048xf32, #tpu.memory_space<vmem_shared>>
    tpu.enqueue_dma source(%arg18 : memref<2048xf32, #tpu.memory_space<vmem>>) target(%dma_start3A_174 : memref<2048xf32, #tpu.memory_space<vmem_shared>>) target_semaphore(%arg20 : memref<!tpu.dma_semaphore, #tpu.memory_space<semaphore_mem>>)
    %mul3A_175 = arith.constant 65536 : i32
    %mul3A_176 = arith.muli %arg1, %mul3A_175 : i32
    %add3A_177 = arith.constant 51200 : i32
    %add3A_178 = arith.addi %mul3A_176, %add3A_177 : i32
    %dma_start3A_179 = tpu.memref_slice %arg19[%add3A_178] : memref<1048576xf32, #tpu.memory_space<vmem_shared>> -> memref<2048xf32, #tpu.memory_space<vmem_shared>>
    %dma_start3A_180 = tpu.memref_slice %arg19[%add3A_178] : memref<1048576xf32, #tpu.memory_space<vmem_shared>> -> memref<2048xf32, #tpu.memory_space<vmem_shared>>
    tpu.enqueue_dma source(%arg18 : memref<2048xf32, #tpu.memory_space<vmem>>) target(%dma_start3A_180 : memref<2048xf32, #tpu.memory_space<vmem_shared>>) target_semaphore(%arg20 : memref<!tpu.dma_semaphore, #tpu.memory_space<semaphore_mem>>)
    %mul3A_181 = arith.constant 65536 : i32
    %mul3A_182 = arith.muli %arg1, %mul3A_181 : i32
    %add3A_183 = arith.constant 53248 : i32
    %add3A_184 = arith.addi %mul3A_182, %add3A_183 : i32
    %dma_start3A_185 = tpu.memref_slice %arg19[%add3A_184] : memref<1048576xf32, #tpu.memory_space<vmem_shared>> -> memref<2048xf32, #tpu.memory_space<vmem_shared>>
    %dma_start3A_186 = tpu.memref_slice %arg19[%add3A_184] : memref<1048576xf32, #tpu.memory_space<vmem_shared>> -> memref<2048xf32, #tpu.memory_space<vmem_shared>>
    tpu.enqueue_dma source(%arg18 : memref<2048xf32, #tpu.memory_space<vmem>>) target(%dma_start3A_186 : memref<2048xf32, #tpu.memory_space<vmem_shared>>) target_semaphore(%arg20 : memref<!tpu.dma_semaphore, #tpu.memory_space<semaphore_mem>>)
    %mul3A_187 = arith.constant 65536 : i32
    %mul3A_188 = arith.muli %arg1, %mul3A_187 : i32
    %add3A_189 = arith.constant 55296 : i32
    %add3A_190 = arith.addi %mul3A_188, %add3A_189 : i32
    %dma_start3A_191 = tpu.memref_slice %arg19[%add3A_190] : memref<1048576xf32, #tpu.memory_space<vmem_shared>> -> memref<2048xf32, #tpu.memory_space<vmem_shared>>
    %dma_start3A_192 = tpu.memref_slice %arg19[%add3A_190] : memref<1048576xf32, #tpu.memory_space<vmem_shared>> -> memref<2048xf32, #tpu.memory_space<vmem_shared>>
    tpu.enqueue_dma source(%arg18 : memref<2048xf32, #tpu.memory_space<vmem>>) target(%dma_start3A_192 : memref<2048xf32, #tpu.memory_space<vmem_shared>>) target_semaphore(%arg20 : memref<!tpu.dma_semaphore, #tpu.memory_space<semaphore_mem>>)
    %mul3A_193 = arith.constant 65536 : i32
    %mul3A_194 = arith.muli %arg1, %mul3A_193 : i32
    %add3A_195 = arith.constant 57344 : i32
    %add3A_196 = arith.addi %mul3A_194, %add3A_195 : i32
    %dma_start3A_197 = tpu.memref_slice %arg19[%add3A_196] : memref<1048576xf32, #tpu.memory_space<vmem_shared>> -> memref<2048xf32, #tpu.memory_space<vmem_shared>>
    %dma_start3A_198 = tpu.memref_slice %arg19[%add3A_196] : memref<1048576xf32, #tpu.memory_space<vmem_shared>> -> memref<2048xf32, #tpu.memory_space<vmem_shared>>
    tpu.enqueue_dma source(%arg18 : memref<2048xf32, #tpu.memory_space<vmem>>) target(%dma_start3A_198 : memref<2048xf32, #tpu.memory_space<vmem_shared>>) target_semaphore(%arg20 : memref<!tpu.dma_semaphore, #tpu.memory_space<semaphore_mem>>)
    %mul3A_199 = arith.constant 65536 : i32
    %mul3A_200 = arith.muli %arg1, %mul3A_199 : i32
    %add3A_201 = arith.constant 59392 : i32
    %add3A_202 = arith.addi %mul3A_200, %add3A_201 : i32
    %dma_start3A_203 = tpu.memref_slice %arg19[%add3A_202] : memref<1048576xf32, #tpu.memory_space<vmem_shared>> -> memref<2048xf32, #tpu.memory_space<vmem_shared>>
    %dma_start3A_204 = tpu.memref_slice %arg19[%add3A_202] : memref<1048576xf32, #tpu.memory_space<vmem_shared>> -> memref<2048xf32, #tpu.memory_space<vmem_shared>>
    tpu.enqueue_dma source(%arg18 : memref<2048xf32, #tpu.memory_space<vmem>>) target(%dma_start3A_204 : memref<2048xf32, #tpu.memory_space<vmem_shared>>) target_semaphore(%arg20 : memref<!tpu.dma_semaphore, #tpu.memory_space<semaphore_mem>>)
    %mul3A_205 = arith.constant 65536 : i32
    %mul3A_206 = arith.muli %arg1, %mul3A_205 : i32
    %add3A_207 = arith.constant 61440 : i32
    %add3A_208 = arith.addi %mul3A_206, %add3A_207 : i32
    %dma_start3A_209 = tpu.memref_slice %arg19[%add3A_208] : memref<1048576xf32, #tpu.memory_space<vmem_shared>> -> memref<2048xf32, #tpu.memory_space<vmem_shared>>
    %dma_start3A_210 = tpu.memref_slice %arg19[%add3A_208] : memref<1048576xf32, #tpu.memory_space<vmem_shared>> -> memref<2048xf32, #tpu.memory_space<vmem_shared>>
    tpu.enqueue_dma source(%arg18 : memref<2048xf32, #tpu.memory_space<vmem>>) target(%dma_start3A_210 : memref<2048xf32, #tpu.memory_space<vmem_shared>>) target_semaphore(%arg20 : memref<!tpu.dma_semaphore, #tpu.memory_space<semaphore_mem>>)
    %mul3A_211 = arith.constant 65536 : i32
    %mul3A_212 = arith.muli %arg1, %mul3A_211 : i32
    %add3A_213 = arith.constant 63488 : i32
    %add3A_214 = arith.addi %mul3A_212, %add3A_213 : i32
    %dma_start3A_215 = tpu.memref_slice %arg19[%add3A_214] : memref<1048576xf32, #tpu.memory_space<vmem_shared>> -> memref<2048xf32, #tpu.memory_space<vmem_shared>>
    %dma_start3A_216 = tpu.memref_slice %arg19[%add3A_214] : memref<1048576xf32, #tpu.memory_space<vmem_shared>> -> memref<2048xf32, #tpu.memory_space<vmem_shared>>
    tpu.enqueue_dma source(%arg18 : memref<2048xf32, #tpu.memory_space<vmem>>) target(%dma_start3A_216 : memref<2048xf32, #tpu.memory_space<vmem_shared>>) target_semaphore(%arg20 : memref<!tpu.dma_semaphore, #tpu.memory_space<semaphore_mem>>)
    %dma_wait3A = tpu.memref_slice %arg19[%add3A_28] : memref<1048576xf32, #tpu.memory_space<vmem_shared>> -> memref<2048xf32, #tpu.memory_space<vmem_shared>>
    %dma_wait3A_217 = tpu.memref_slice %arg19[%add3A_28] : memref<1048576xf32, #tpu.memory_space<vmem_shared>> -> memref<2048xf32, #tpu.memory_space<vmem_shared>>
    tpu.wait_dma2 semaphore(%arg20 : memref<!tpu.dma_semaphore, #tpu.memory_space<semaphore_mem>>) src(%arg18 : memref<2048xf32, #tpu.memory_space<vmem>>) dst(%dma_wait3A_217 : memref<2048xf32, #tpu.memory_space<vmem_shared>>)
    %dma_wait3A_218 = tpu.memref_slice %arg19[%add3A_34] : memref<1048576xf32, #tpu.memory_space<vmem_shared>> -> memref<2048xf32, #tpu.memory_space<vmem_shared>>
    %dma_wait3A_219 = tpu.memref_slice %arg19[%add3A_34] : memref<1048576xf32, #tpu.memory_space<vmem_shared>> -> memref<2048xf32, #tpu.memory_space<vmem_shared>>
    tpu.wait_dma2 semaphore(%arg20 : memref<!tpu.dma_semaphore, #tpu.memory_space<semaphore_mem>>) src(%arg18 : memref<2048xf32, #tpu.memory_space<vmem>>) dst(%dma_wait3A_219 : memref<2048xf32, #tpu.memory_space<vmem_shared>>)
    %dma_wait3A_220 = tpu.memref_slice %arg19[%add3A_40] : memref<1048576xf32, #tpu.memory_space<vmem_shared>> -> memref<2048xf32, #tpu.memory_space<vmem_shared>>
    %dma_wait3A_221 = tpu.memref_slice %arg19[%add3A_40] : memref<1048576xf32, #tpu.memory_space<vmem_shared>> -> memref<2048xf32, #tpu.memory_space<vmem_shared>>
    tpu.wait_dma2 semaphore(%arg20 : memref<!tpu.dma_semaphore, #tpu.memory_space<semaphore_mem>>) src(%arg18 : memref<2048xf32, #tpu.memory_space<vmem>>) dst(%dma_wait3A_221 : memref<2048xf32, #tpu.memory_space<vmem_shared>>)
    %dma_wait3A_222 = tpu.memref_slice %arg19[%add3A_46] : memref<1048576xf32, #tpu.memory_space<vmem_shared>> -> memref<2048xf32, #tpu.memory_space<vmem_shared>>
    %dma_wait3A_223 = tpu.memref_slice %arg19[%add3A_46] : memref<1048576xf32, #tpu.memory_space<vmem_shared>> -> memref<2048xf32, #tpu.memory_space<vmem_shared>>
    tpu.wait_dma2 semaphore(%arg20 : memref<!tpu.dma_semaphore, #tpu.memory_space<semaphore_mem>>) src(%arg18 : memref<2048xf32, #tpu.memory_space<vmem>>) dst(%dma_wait3A_223 : memref<2048xf32, #tpu.memory_space<vmem_shared>>)
    %dma_wait3A_224 = tpu.memref_slice %arg19[%add3A_52] : memref<1048576xf32, #tpu.memory_space<vmem_shared>> -> memref<2048xf32, #tpu.memory_space<vmem_shared>>
    %dma_wait3A_225 = tpu.memref_slice %arg19[%add3A_52] : memref<1048576xf32, #tpu.memory_space<vmem_shared>> -> memref<2048xf32, #tpu.memory_space<vmem_shared>>
    tpu.wait_dma2 semaphore(%arg20 : memref<!tpu.dma_semaphore, #tpu.memory_space<semaphore_mem>>) src(%arg18 : memref<2048xf32, #tpu.memory_space<vmem>>) dst(%dma_wait3A_225 : memref<2048xf32, #tpu.memory_space<vmem_shared>>)
    %dma_wait3A_226 = tpu.memref_slice %arg19[%add3A_58] : memref<1048576xf32, #tpu.memory_space<vmem_shared>> -> memref<2048xf32, #tpu.memory_space<vmem_shared>>
    %dma_wait3A_227 = tpu.memref_slice %arg19[%add3A_58] : memref<1048576xf32, #tpu.memory_space<vmem_shared>> -> memref<2048xf32, #tpu.memory_space<vmem_shared>>
    tpu.wait_dma2 semaphore(%arg20 : memref<!tpu.dma_semaphore, #tpu.memory_space<semaphore_mem>>) src(%arg18 : memref<2048xf32, #tpu.memory_space<vmem>>) dst(%dma_wait3A_227 : memref<2048xf32, #tpu.memory_space<vmem_shared>>)
    %dma_wait3A_228 = tpu.memref_slice %arg19[%add3A_64] : memref<1048576xf32, #tpu.memory_space<vmem_shared>> -> memref<2048xf32, #tpu.memory_space<vmem_shared>>
    %dma_wait3A_229 = tpu.memref_slice %arg19[%add3A_64] : memref<1048576xf32, #tpu.memory_space<vmem_shared>> -> memref<2048xf32, #tpu.memory_space<vmem_shared>>
    tpu.wait_dma2 semaphore(%arg20 : memref<!tpu.dma_semaphore, #tpu.memory_space<semaphore_mem>>) src(%arg18 : memref<2048xf32, #tpu.memory_space<vmem>>) dst(%dma_wait3A_229 : memref<2048xf32, #tpu.memory_space<vmem_shared>>)
    %dma_wait3A_230 = tpu.memref_slice %arg19[%add3A_70] : memref<1048576xf32, #tpu.memory_space<vmem_shared>> -> memref<2048xf32, #tpu.memory_space<vmem_shared>>
    %dma_wait3A_231 = tpu.memref_slice %arg19[%add3A_70] : memref<1048576xf32, #tpu.memory_space<vmem_shared>> -> memref<2048xf32, #tpu.memory_space<vmem_shared>>
    tpu.wait_dma2 semaphore(%arg20 : memref<!tpu.dma_semaphore, #tpu.memory_space<semaphore_mem>>) src(%arg18 : memref<2048xf32, #tpu.memory_space<vmem>>) dst(%dma_wait3A_231 : memref<2048xf32, #tpu.memory_space<vmem_shared>>)
    %dma_wait3A_232 = tpu.memref_slice %arg19[%add3A_76] : memref<1048576xf32, #tpu.memory_space<vmem_shared>> -> memref<2048xf32, #tpu.memory_space<vmem_shared>>
    %dma_wait3A_233 = tpu.memref_slice %arg19[%add3A_76] : memref<1048576xf32, #tpu.memory_space<vmem_shared>> -> memref<2048xf32, #tpu.memory_space<vmem_shared>>
    tpu.wait_dma2 semaphore(%arg20 : memref<!tpu.dma_semaphore, #tpu.memory_space<semaphore_mem>>) src(%arg18 : memref<2048xf32, #tpu.memory_space<vmem>>) dst(%dma_wait3A_233 : memref<2048xf32, #tpu.memory_space<vmem_shared>>)
    %dma_wait3A_234 = tpu.memref_slice %arg19[%add3A_82] : memref<1048576xf32, #tpu.memory_space<vmem_shared>> -> memref<2048xf32, #tpu.memory_space<vmem_shared>>
    %dma_wait3A_235 = tpu.memref_slice %arg19[%add3A_82] : memref<1048576xf32, #tpu.memory_space<vmem_shared>> -> memref<2048xf32, #tpu.memory_space<vmem_shared>>
    tpu.wait_dma2 semaphore(%arg20 : memref<!tpu.dma_semaphore, #tpu.memory_space<semaphore_mem>>) src(%arg18 : memref<2048xf32, #tpu.memory_space<vmem>>) dst(%dma_wait3A_235 : memref<2048xf32, #tpu.memory_space<vmem_shared>>)
    %dma_wait3A_236 = tpu.memref_slice %arg19[%add3A_88] : memref<1048576xf32, #tpu.memory_space<vmem_shared>> -> memref<2048xf32, #tpu.memory_space<vmem_shared>>
    %dma_wait3A_237 = tpu.memref_slice %arg19[%add3A_88] : memref<1048576xf32, #tpu.memory_space<vmem_shared>> -> memref<2048xf32, #tpu.memory_space<vmem_shared>>
    tpu.wait_dma2 semaphore(%arg20 : memref<!tpu.dma_semaphore, #tpu.memory_space<semaphore_mem>>) src(%arg18 : memref<2048xf32, #tpu.memory_space<vmem>>) dst(%dma_wait3A_237 : memref<2048xf32, #tpu.memory_space<vmem_shared>>)
    %dma_wait3A_238 = tpu.memref_slice %arg19[%add3A_94] : memref<1048576xf32, #tpu.memory_space<vmem_shared>> -> memref<2048xf32, #tpu.memory_space<vmem_shared>>
    %dma_wait3A_239 = tpu.memref_slice %arg19[%add3A_94] : memref<1048576xf32, #tpu.memory_space<vmem_shared>> -> memref<2048xf32, #tpu.memory_space<vmem_shared>>
    tpu.wait_dma2 semaphore(%arg20 : memref<!tpu.dma_semaphore, #tpu.memory_space<semaphore_mem>>) src(%arg18 : memref<2048xf32, #tpu.memory_space<vmem>>) dst(%dma_wait3A_239 : memref<2048xf32, #tpu.memory_space<vmem_shared>>)
    %dma_wait3A_240 = tpu.memref_slice %arg19[%add3A_100] : memref<1048576xf32, #tpu.memory_space<vmem_shared>> -> memref<2048xf32, #tpu.memory_space<vmem_shared>>
    %dma_wait3A_241 = tpu.memref_slice %arg19[%add3A_100] : memref<1048576xf32, #tpu.memory_space<vmem_shared>> -> memref<2048xf32, #tpu.memory_space<vmem_shared>>
    tpu.wait_dma2 semaphore(%arg20 : memref<!tpu.dma_semaphore, #tpu.memory_space<semaphore_mem>>) src(%arg18 : memref<2048xf32, #tpu.memory_space<vmem>>) dst(%dma_wait3A_241 : memref<2048xf32, #tpu.memory_space<vmem_shared>>)
    %dma_wait3A_242 = tpu.memref_slice %arg19[%add3A_106] : memref<1048576xf32, #tpu.memory_space<vmem_shared>> -> memref<2048xf32, #tpu.memory_space<vmem_shared>>
    %dma_wait3A_243 = tpu.memref_slice %arg19[%add3A_106] : memref<1048576xf32, #tpu.memory_space<vmem_shared>> -> memref<2048xf32, #tpu.memory_space<vmem_shared>>
    tpu.wait_dma2 semaphore(%arg20 : memref<!tpu.dma_semaphore, #tpu.memory_space<semaphore_mem>>) src(%arg18 : memref<2048xf32, #tpu.memory_space<vmem>>) dst(%dma_wait3A_243 : memref<2048xf32, #tpu.memory_space<vmem_shared>>)
    %dma_wait3A_244 = tpu.memref_slice %arg19[%add3A_112] : memref<1048576xf32, #tpu.memory_space<vmem_shared>> -> memref<2048xf32, #tpu.memory_space<vmem_shared>>
    %dma_wait3A_245 = tpu.memref_slice %arg19[%add3A_112] : memref<1048576xf32, #tpu.memory_space<vmem_shared>> -> memref<2048xf32, #tpu.memory_space<vmem_shared>>
    tpu.wait_dma2 semaphore(%arg20 : memref<!tpu.dma_semaphore, #tpu.memory_space<semaphore_mem>>) src(%arg18 : memref<2048xf32, #tpu.memory_space<vmem>>) dst(%dma_wait3A_245 : memref<2048xf32, #tpu.memory_space<vmem_shared>>)
    %dma_wait3A_246 = tpu.memref_slice %arg19[%add3A_118] : memref<1048576xf32, #tpu.memory_space<vmem_shared>> -> memref<2048xf32, #tpu.memory_space<vmem_shared>>
    %dma_wait3A_247 = tpu.memref_slice %arg19[%add3A_118] : memref<1048576xf32, #tpu.memory_space<vmem_shared>> -> memref<2048xf32, #tpu.memory_space<vmem_shared>>
    tpu.wait_dma2 semaphore(%arg20 : memref<!tpu.dma_semaphore, #tpu.memory_space<semaphore_mem>>) src(%arg18 : memref<2048xf32, #tpu.memory_space<vmem>>) dst(%dma_wait3A_247 : memref<2048xf32, #tpu.memory_space<vmem_shared>>)
    %dma_wait3A_248 = tpu.memref_slice %arg19[%add3A_124] : memref<1048576xf32, #tpu.memory_space<vmem_shared>> -> memref<2048xf32, #tpu.memory_space<vmem_shared>>
    %dma_wait3A_249 = tpu.memref_slice %arg19[%add3A_124] : memref<1048576xf32, #tpu.memory_space<vmem_shared>> -> memref<2048xf32, #tpu.memory_space<vmem_shared>>
    tpu.wait_dma2 semaphore(%arg20 : memref<!tpu.dma_semaphore, #tpu.memory_space<semaphore_mem>>) src(%arg18 : memref<2048xf32, #tpu.memory_space<vmem>>) dst(%dma_wait3A_249 : memref<2048xf32, #tpu.memory_space<vmem_shared>>)
    %dma_wait3A_250 = tpu.memref_slice %arg19[%add3A_130] : memref<1048576xf32, #tpu.memory_space<vmem_shared>> -> memref<2048xf32, #tpu.memory_space<vmem_shared>>
    %dma_wait3A_251 = tpu.memref_slice %arg19[%add3A_130] : memref<1048576xf32, #tpu.memory_space<vmem_shared>> -> memref<2048xf32, #tpu.memory_space<vmem_shared>>
    tpu.wait_dma2 semaphore(%arg20 : memref<!tpu.dma_semaphore, #tpu.memory_space<semaphore_mem>>) src(%arg18 : memref<2048xf32, #tpu.memory_space<vmem>>) dst(%dma_wait3A_251 : memref<2048xf32, #tpu.memory_space<vmem_shared>>)
    %dma_wait3A_252 = tpu.memref_slice %arg19[%add3A_136] : memref<1048576xf32, #tpu.memory_space<vmem_shared>> -> memref<2048xf32, #tpu.memory_space<vmem_shared>>
    %dma_wait3A_253 = tpu.memref_slice %arg19[%add3A_136] : memref<1048576xf32, #tpu.memory_space<vmem_shared>> -> memref<2048xf32, #tpu.memory_space<vmem_shared>>
    tpu.wait_dma2 semaphore(%arg20 : memref<!tpu.dma_semaphore, #tpu.memory_space<semaphore_mem>>) src(%arg18 : memref<2048xf32, #tpu.memory_space<vmem>>) dst(%dma_wait3A_253 : memref<2048xf32, #tpu.memory_space<vmem_shared>>)
    %dma_wait3A_254 = tpu.memref_slice %arg19[%add3A_142] : memref<1048576xf32, #tpu.memory_space<vmem_shared>> -> memref<2048xf32, #tpu.memory_space<vmem_shared>>
    %dma_wait3A_255 = tpu.memref_slice %arg19[%add3A_142] : memref<1048576xf32, #tpu.memory_space<vmem_shared>> -> memref<2048xf32, #tpu.memory_space<vmem_shared>>
    tpu.wait_dma2 semaphore(%arg20 : memref<!tpu.dma_semaphore, #tpu.memory_space<semaphore_mem>>) src(%arg18 : memref<2048xf32, #tpu.memory_space<vmem>>) dst(%dma_wait3A_255 : memref<2048xf32, #tpu.memory_space<vmem_shared>>)
    %dma_wait3A_256 = tpu.memref_slice %arg19[%add3A_148] : memref<1048576xf32, #tpu.memory_space<vmem_shared>> -> memref<2048xf32, #tpu.memory_space<vmem_shared>>
    %dma_wait3A_257 = tpu.memref_slice %arg19[%add3A_148] : memref<1048576xf32, #tpu.memory_space<vmem_shared>> -> memref<2048xf32, #tpu.memory_space<vmem_shared>>
    tpu.wait_dma2 semaphore(%arg20 : memref<!tpu.dma_semaphore, #tpu.memory_space<semaphore_mem>>) src(%arg18 : memref<2048xf32, #tpu.memory_space<vmem>>) dst(%dma_wait3A_257 : memref<2048xf32, #tpu.memory_space<vmem_shared>>)
    %dma_wait3A_258 = tpu.memref_slice %arg19[%add3A_154] : memref<1048576xf32, #tpu.memory_space<vmem_shared>> -> memref<2048xf32, #tpu.memory_space<vmem_shared>>
    %dma_wait3A_259 = tpu.memref_slice %arg19[%add3A_154] : memref<1048576xf32, #tpu.memory_space<vmem_shared>> -> memref<2048xf32, #tpu.memory_space<vmem_shared>>
    tpu.wait_dma2 semaphore(%arg20 : memref<!tpu.dma_semaphore, #tpu.memory_space<semaphore_mem>>) src(%arg18 : memref<2048xf32, #tpu.memory_space<vmem>>) dst(%dma_wait3A_259 : memref<2048xf32, #tpu.memory_space<vmem_shared>>)
    %dma_wait3A_260 = tpu.memref_slice %arg19[%add3A_160] : memref<1048576xf32, #tpu.memory_space<vmem_shared>> -> memref<2048xf32, #tpu.memory_space<vmem_shared>>
    %dma_wait3A_261 = tpu.memref_slice %arg19[%add3A_160] : memref<1048576xf32, #tpu.memory_space<vmem_shared>> -> memref<2048xf32, #tpu.memory_space<vmem_shared>>
    tpu.wait_dma2 semaphore(%arg20 : memref<!tpu.dma_semaphore, #tpu.memory_space<semaphore_mem>>) src(%arg18 : memref<2048xf32, #tpu.memory_space<vmem>>) dst(%dma_wait3A_261 : memref<2048xf32, #tpu.memory_space<vmem_shared>>)
    %dma_wait3A_262 = tpu.memref_slice %arg19[%add3A_166] : memref<1048576xf32, #tpu.memory_space<vmem_shared>> -> memref<2048xf32, #tpu.memory_space<vmem_shared>>
    %dma_wait3A_263 = tpu.memref_slice %arg19[%add3A_166] : memref<1048576xf32, #tpu.memory_space<vmem_shared>> -> memref<2048xf32, #tpu.memory_space<vmem_shared>>
    tpu.wait_dma2 semaphore(%arg20 : memref<!tpu.dma_semaphore, #tpu.memory_space<semaphore_mem>>) src(%arg18 : memref<2048xf32, #tpu.memory_space<vmem>>) dst(%dma_wait3A_263 : memref<2048xf32, #tpu.memory_space<vmem_shared>>)
    %dma_wait3A_264 = tpu.memref_slice %arg19[%add3A_172] : memref<1048576xf32, #tpu.memory_space<vmem_shared>> -> memref<2048xf32, #tpu.memory_space<vmem_shared>>
    %dma_wait3A_265 = tpu.memref_slice %arg19[%add3A_172] : memref<1048576xf32, #tpu.memory_space<vmem_shared>> -> memref<2048xf32, #tpu.memory_space<vmem_shared>>
    tpu.wait_dma2 semaphore(%arg20 : memref<!tpu.dma_semaphore, #tpu.memory_space<semaphore_mem>>) src(%arg18 : memref<2048xf32, #tpu.memory_space<vmem>>) dst(%dma_wait3A_265 : memref<2048xf32, #tpu.memory_space<vmem_shared>>)
    %dma_wait3A_266 = tpu.memref_slice %arg19[%add3A_178] : memref<1048576xf32, #tpu.memory_space<vmem_shared>> -> memref<2048xf32, #tpu.memory_space<vmem_shared>>
    %dma_wait3A_267 = tpu.memref_slice %arg19[%add3A_178] : memref<1048576xf32, #tpu.memory_space<vmem_shared>> -> memref<2048xf32, #tpu.memory_space<vmem_shared>>
    tpu.wait_dma2 semaphore(%arg20 : memref<!tpu.dma_semaphore, #tpu.memory_space<semaphore_mem>>) src(%arg18 : memref<2048xf32, #tpu.memory_space<vmem>>) dst(%dma_wait3A_267 : memref<2048xf32, #tpu.memory_space<vmem_shared>>)
    %dma_wait3A_268 = tpu.memref_slice %arg19[%add3A_184] : memref<1048576xf32, #tpu.memory_space<vmem_shared>> -> memref<2048xf32, #tpu.memory_space<vmem_shared>>
    %dma_wait3A_269 = tpu.memref_slice %arg19[%add3A_184] : memref<1048576xf32, #tpu.memory_space<vmem_shared>> -> memref<2048xf32, #tpu.memory_space<vmem_shared>>
    tpu.wait_dma2 semaphore(%arg20 : memref<!tpu.dma_semaphore, #tpu.memory_space<semaphore_mem>>) src(%arg18 : memref<2048xf32, #tpu.memory_space<vmem>>) dst(%dma_wait3A_269 : memref<2048xf32, #tpu.memory_space<vmem_shared>>)
    %dma_wait3A_270 = tpu.memref_slice %arg19[%add3A_190] : memref<1048576xf32, #tpu.memory_space<vmem_shared>> -> memref<2048xf32, #tpu.memory_space<vmem_shared>>
    %dma_wait3A_271 = tpu.memref_slice %arg19[%add3A_190] : memref<1048576xf32, #tpu.memory_space<vmem_shared>> -> memref<2048xf32, #tpu.memory_space<vmem_shared>>
    tpu.wait_dma2 semaphore(%arg20 : memref<!tpu.dma_semaphore, #tpu.memory_space<semaphore_mem>>) src(%arg18 : memref<2048xf32, #tpu.memory_space<vmem>>) dst(%dma_wait3A_271 : memref<2048xf32, #tpu.memory_space<vmem_shared>>)
    %dma_wait3A_272 = tpu.memref_slice %arg19[%add3A_196] : memref<1048576xf32, #tpu.memory_space<vmem_shared>> -> memref<2048xf32, #tpu.memory_space<vmem_shared>>
    %dma_wait3A_273 = tpu.memref_slice %arg19[%add3A_196] : memref<1048576xf32, #tpu.memory_space<vmem_shared>> -> memref<2048xf32, #tpu.memory_space<vmem_shared>>
    tpu.wait_dma2 semaphore(%arg20 : memref<!tpu.dma_semaphore, #tpu.memory_space<semaphore_mem>>) src(%arg18 : memref<2048xf32, #tpu.memory_space<vmem>>) dst(%dma_wait3A_273 : memref<2048xf32, #tpu.memory_space<vmem_shared>>)
    %dma_wait3A_274 = tpu.memref_slice %arg19[%add3A_202] : memref<1048576xf32, #tpu.memory_space<vmem_shared>> -> memref<2048xf32, #tpu.memory_space<vmem_shared>>
    %dma_wait3A_275 = tpu.memref_slice %arg19[%add3A_202] : memref<1048576xf32, #tpu.memory_space<vmem_shared>> -> memref<2048xf32, #tpu.memory_space<vmem_shared>>
    tpu.wait_dma2 semaphore(%arg20 : memref<!tpu.dma_semaphore, #tpu.memory_space<semaphore_mem>>) src(%arg18 : memref<2048xf32, #tpu.memory_space<vmem>>) dst(%dma_wait3A_275 : memref<2048xf32, #tpu.memory_space<vmem_shared>>)
    %dma_wait3A_276 = tpu.memref_slice %arg19[%add3A_208] : memref<1048576xf32, #tpu.memory_space<vmem_shared>> -> memref<2048xf32, #tpu.memory_space<vmem_shared>>
    %dma_wait3A_277 = tpu.memref_slice %arg19[%add3A_208] : memref<1048576xf32, #tpu.memory_space<vmem_shared>> -> memref<2048xf32, #tpu.memory_space<vmem_shared>>
    tpu.wait_dma2 semaphore(%arg20 : memref<!tpu.dma_semaphore, #tpu.memory_space<semaphore_mem>>) src(%arg18 : memref<2048xf32, #tpu.memory_space<vmem>>) dst(%dma_wait3A_277 : memref<2048xf32, #tpu.memory_space<vmem_shared>>)
    %dma_wait3A_278 = tpu.memref_slice %arg19[%add3A_214] : memref<1048576xf32, #tpu.memory_space<vmem_shared>> -> memref<2048xf32, #tpu.memory_space<vmem_shared>>
    %dma_wait3A_279 = tpu.memref_slice %arg19[%add3A_214] : memref<1048576xf32, #tpu.memory_space<vmem_shared>> -> memref<2048xf32, #tpu.memory_space<vmem_shared>>
    tpu.wait_dma2 semaphore(%arg20 : memref<!tpu.dma_semaphore, #tpu.memory_space<semaphore_mem>>) src(%arg18 : memref<2048xf32, #tpu.memory_space<vmem>>) dst(%dma_wait3A_279 : memref<2048xf32, #tpu.memory_space<vmem_shared>>)
    %barrier3A = arith.constant 0 : index
    tpu.barrier barrier_id(%barrier3A)
    %dma_wait3A_280 = tpu.memref_slice %arg2[%mul3A_6] : memref<4194304xi32, #tpu.memory_space<hbm>> -> memref<8192xi32, #tpu.memory_space<hbm>>
    %dma_wait3A_281 = tpu.memref_slice %arg2[%mul3A_6] : memref<4194304xi32, #tpu.memory_space<hbm>> -> memref<8192xi32, #tpu.memory_space<hbm>>
    tpu.wait_dma2 semaphore(%arg8 : memref<!tpu.dma_semaphore, #tpu.memory_space<semaphore_mem>>) src(%dma_wait3A_281 : memref<8192xi32, #tpu.memory_space<hbm>>) dst(%arg6 : memref<8192xi32, #tpu.memory_space<vmem>>)
    %dma_wait3A_282 = tpu.memref_slice %arg3[%mul3A_6] : memref<4194304xf32, #tpu.memory_space<hbm>> -> memref<8192xf32, #tpu.memory_space<hbm>>
    %dma_wait3A_283 = tpu.memref_slice %arg3[%mul3A_6] : memref<4194304xf32, #tpu.memory_space<hbm>> -> memref<8192xf32, #tpu.memory_space<hbm>>
    tpu.wait_dma2 semaphore(%arg8 : memref<!tpu.dma_semaphore, #tpu.memory_space<semaphore_mem>>) src(%dma_wait3A_283 : memref<8192xf32, #tpu.memory_space<hbm>>) dst(%arg7 : memref<8192xf32, #tpu.memory_space<vmem>>)
    %dma_start3A_284 = arith.constant 0 : i32
    %dma_start3A_285 = tpu.memref_slice %arg19[%dma_start3A_284] : memref<1048576xf32, #tpu.memory_space<vmem_shared>> -> memref<1048576xf32, #tpu.memory_space<vmem_shared>>
    tpu.enqueue_indirect_dma source(%arg7 : memref<8192xf32, #tpu.memory_space<vmem>>) target(%dma_start3A_285 : memref<1048576xf32, #tpu.memory_space<vmem_shared>>) offsets(%arg6 : memref<8192xi32, #tpu.memory_space<vmem>>) semaphore(%arg9 : memref<!tpu.dma_semaphore, #tpu.memory_space<semaphore_mem>>) {add = true}
    %mul3A_286 = arith.constant 16 : i32
    %mul3A_287 = arith.muli %add3A, %mul3A_286 : i32
    %add3A_288 = arith.constant 2 : i32
    %add3A_289 = arith.addi %mul3A_287, %add3A_288 : i32
    %mul3A_290 = arith.constant 8192 : i32
    %mul3A_291 = arith.muli %add3A_289, %mul3A_290 : i32
    %dma_start3A_292 = tpu.memref_slice %arg2[%mul3A_291] : memref<4194304xi32, #tpu.memory_space<hbm>> -> memref<8192xi32, #tpu.memory_space<hbm>>
    %dma_start3A_293 = tpu.memref_slice %arg2[%mul3A_291] : memref<4194304xi32, #tpu.memory_space<hbm>> -> memref<8192xi32, #tpu.memory_space<hbm>>
    tpu.enqueue_dma source(%dma_start3A_293 : memref<8192xi32, #tpu.memory_space<hbm>>) target(%arg14 : memref<8192xi32, #tpu.memory_space<vmem>>) target_semaphore(%arg16 : memref<!tpu.dma_semaphore, #tpu.memory_space<semaphore_mem>>)
    %dma_start3A_294 = tpu.memref_slice %arg3[%mul3A_291] : memref<4194304xf32, #tpu.memory_space<hbm>> -> memref<8192xf32, #tpu.memory_space<hbm>>
    %dma_start3A_295 = tpu.memref_slice %arg3[%mul3A_291] : memref<4194304xf32, #tpu.memory_space<hbm>> -> memref<8192xf32, #tpu.memory_space<hbm>>
    tpu.enqueue_dma source(%dma_start3A_295 : memref<8192xf32, #tpu.memory_space<hbm>>) target(%arg15 : memref<8192xf32, #tpu.memory_space<vmem>>) target_semaphore(%arg16 : memref<!tpu.dma_semaphore, #tpu.memory_space<semaphore_mem>>)
    %dma_wait3A_296 = tpu.memref_slice %arg2[%mul3A_15] : memref<4194304xi32, #tpu.memory_space<hbm>> -> memref<8192xi32, #tpu.memory_space<hbm>>
    %dma_wait3A_297 = tpu.memref_slice %arg2[%mul3A_15] : memref<4194304xi32, #tpu.memory_space<hbm>> -> memref<8192xi32, #tpu.memory_space<hbm>>
    tpu.wait_dma2 semaphore(%arg12 : memref<!tpu.dma_semaphore, #tpu.memory_space<semaphore_mem>>) src(%dma_wait3A_297 : memref<8192xi32, #tpu.memory_space<hbm>>) dst(%arg10 : memref<8192xi32, #tpu.memory_space<vmem>>)
    %dma_wait3A_298 = tpu.memref_slice %arg3[%mul3A_15] : memref<4194304xf32, #tpu.memory_space<hbm>> -> memref<8192xf32, #tpu.memory_space<hbm>>
    %dma_wait3A_299 = tpu.memref_slice %arg3[%mul3A_15] : memref<4194304xf32, #tpu.memory_space<hbm>> -> memref<8192xf32, #tpu.memory_space<hbm>>
    tpu.wait_dma2 semaphore(%arg12 : memref<!tpu.dma_semaphore, #tpu.memory_space<semaphore_mem>>) src(%dma_wait3A_299 : memref<8192xf32, #tpu.memory_space<hbm>>) dst(%arg11 : memref<8192xf32, #tpu.memory_space<vmem>>)
    %dma_start3A_300 = arith.constant 0 : i32
    %dma_start3A_301 = tpu.memref_slice %arg19[%dma_start3A_300] : memref<1048576xf32, #tpu.memory_space<vmem_shared>> -> memref<1048576xf32, #tpu.memory_space<vmem_shared>>
    tpu.enqueue_indirect_dma source(%arg11 : memref<8192xf32, #tpu.memory_space<vmem>>) target(%dma_start3A_301 : memref<1048576xf32, #tpu.memory_space<vmem_shared>>) offsets(%arg10 : memref<8192xi32, #tpu.memory_space<vmem>>) semaphore(%arg13 : memref<!tpu.dma_semaphore, #tpu.memory_space<semaphore_mem>>) {add = true}
    %dma_wait3A_302 = arith.constant 0 : i32
    %dma_wait3A_303 = tpu.memref_slice %arg19[%dma_wait3A_302] : memref<1048576xf32, #tpu.memory_space<vmem_shared>> -> memref<1048576xf32, #tpu.memory_space<vmem_shared>>
    tpu.wait_indirect_dma semaphore(%arg9 : memref<!tpu.dma_semaphore, #tpu.memory_space<semaphore_mem>>) src(%arg7 : memref<8192xf32, #tpu.memory_space<vmem>>) dst(%dma_wait3A_303 : memref<1048576xf32, #tpu.memory_space<vmem_shared>>)
    %mul3A_304 = arith.constant 16 : i32
    %mul3A_305 = arith.muli %add3A, %mul3A_304 : i32
    %add3A_306 = arith.constant 3 : i32
    %add3A_307 = arith.addi %mul3A_305, %add3A_306 : i32
    %mul3A_308 = arith.constant 8192 : i32
    %mul3A_309 = arith.muli %add3A_307, %mul3A_308 : i32
    %dma_start3A_310 = tpu.memref_slice %arg2[%mul3A_309] : memref<4194304xi32, #tpu.memory_space<hbm>> -> memref<8192xi32, #tpu.memory_space<hbm>>
    %dma_start3A_311 = tpu.memref_slice %arg2[%mul3A_309] : memref<4194304xi32, #tpu.memory_space<hbm>> -> memref<8192xi32, #tpu.memory_space<hbm>>
    tpu.enqueue_dma source(%dma_start3A_311 : memref<8192xi32, #tpu.memory_space<hbm>>) target(%arg6 : memref<8192xi32, #tpu.memory_space<vmem>>) target_semaphore(%arg8 : memref<!tpu.dma_semaphore, #tpu.memory_space<semaphore_mem>>)
    %dma_start3A_312 = tpu.memref_slice %arg3[%mul3A_309] : memref<4194304xf32, #tpu.memory_space<hbm>> -> memref<8192xf32, #tpu.memory_space<hbm>>
    %dma_start3A_313 = tpu.memref_slice %arg3[%mul3A_309] : memref<4194304xf32, #tpu.memory_space<hbm>> -> memref<8192xf32, #tpu.memory_space<hbm>>
    tpu.enqueue_dma source(%dma_start3A_313 : memref<8192xf32, #tpu.memory_space<hbm>>) target(%arg7 : memref<8192xf32, #tpu.memory_space<vmem>>) target_semaphore(%arg8 : memref<!tpu.dma_semaphore, #tpu.memory_space<semaphore_mem>>)
    %dma_wait3A_314 = tpu.memref_slice %arg2[%mul3A_291] : memref<4194304xi32, #tpu.memory_space<hbm>> -> memref<8192xi32, #tpu.memory_space<hbm>>
    %dma_wait3A_315 = tpu.memref_slice %arg2[%mul3A_291] : memref<4194304xi32, #tpu.memory_space<hbm>> -> memref<8192xi32, #tpu.memory_space<hbm>>
    tpu.wait_dma2 semaphore(%arg16 : memref<!tpu.dma_semaphore, #tpu.memory_space<semaphore_mem>>) src(%dma_wait3A_315 : memref<8192xi32, #tpu.memory_space<hbm>>) dst(%arg14 : memref<8192xi32, #tpu.memory_space<vmem>>)
    %dma_wait3A_316 = tpu.memref_slice %arg3[%mul3A_291] : memref<4194304xf32, #tpu.memory_space<hbm>> -> memref<8192xf32, #tpu.memory_space<hbm>>
    %dma_wait3A_317 = tpu.memref_slice %arg3[%mul3A_291] : memref<4194304xf32, #tpu.memory_space<hbm>> -> memref<8192xf32, #tpu.memory_space<hbm>>
    tpu.wait_dma2 semaphore(%arg16 : memref<!tpu.dma_semaphore, #tpu.memory_space<semaphore_mem>>) src(%dma_wait3A_317 : memref<8192xf32, #tpu.memory_space<hbm>>) dst(%arg15 : memref<8192xf32, #tpu.memory_space<vmem>>)
    %dma_start3A_318 = arith.constant 0 : i32
    %dma_start3A_319 = tpu.memref_slice %arg19[%dma_start3A_318] : memref<1048576xf32, #tpu.memory_space<vmem_shared>> -> memref<1048576xf32, #tpu.memory_space<vmem_shared>>
    tpu.enqueue_indirect_dma source(%arg15 : memref<8192xf32, #tpu.memory_space<vmem>>) target(%dma_start3A_319 : memref<1048576xf32, #tpu.memory_space<vmem_shared>>) offsets(%arg14 : memref<8192xi32, #tpu.memory_space<vmem>>) semaphore(%arg17 : memref<!tpu.dma_semaphore, #tpu.memory_space<semaphore_mem>>) {add = true}
    %dma_wait3A_320 = arith.constant 0 : i32
    %dma_wait3A_321 = tpu.memref_slice %arg19[%dma_wait3A_320] : memref<1048576xf32, #tpu.memory_space<vmem_shared>> -> memref<1048576xf32, #tpu.memory_space<vmem_shared>>
    tpu.wait_indirect_dma semaphore(%arg13 : memref<!tpu.dma_semaphore, #tpu.memory_space<semaphore_mem>>) src(%arg11 : memref<8192xf32, #tpu.memory_space<vmem>>) dst(%dma_wait3A_321 : memref<1048576xf32, #tpu.memory_space<vmem_shared>>)
    %mul3A_322 = arith.constant 16 : i32
    %mul3A_323 = arith.muli %add3A, %mul3A_322 : i32
    %add3A_324 = arith.constant 4 : i32
    %add3A_325 = arith.addi %mul3A_323, %add3A_324 : i32
    %mul3A_326 = arith.constant 8192 : i32
    %mul3A_327 = arith.muli %add3A_325, %mul3A_326 : i32
    %dma_start3A_328 = tpu.memref_slice %arg2[%mul3A_327] : memref<4194304xi32, #tpu.memory_space<hbm>> -> memref<8192xi32, #tpu.memory_space<hbm>>
    %dma_start3A_329 = tpu.memref_slice %arg2[%mul3A_327] : memref<4194304xi32, #tpu.memory_space<hbm>> -> memref<8192xi32, #tpu.memory_space<hbm>>
    tpu.enqueue_dma source(%dma_start3A_329 : memref<8192xi32, #tpu.memory_space<hbm>>) target(%arg10 : memref<8192xi32, #tpu.memory_space<vmem>>) target_semaphore(%arg12 : memref<!tpu.dma_semaphore, #tpu.memory_space<semaphore_mem>>)
    %dma_start3A_330 = tpu.memref_slice %arg3[%mul3A_327] : memref<4194304xf32, #tpu.memory_space<hbm>> -> memref<8192xf32, #tpu.memory_space<hbm>>
    %dma_start3A_331 = tpu.memref_slice %arg3[%mul3A_327] : memref<4194304xf32, #tpu.memory_space<hbm>> -> memref<8192xf32, #tpu.memory_space<hbm>>
    tpu.enqueue_dma source(%dma_start3A_331 : memref<8192xf32, #tpu.memory_space<hbm>>) target(%arg11 : memref<8192xf32, #tpu.memory_space<vmem>>) target_semaphore(%arg12 : memref<!tpu.dma_semaphore, #tpu.memory_space<semaphore_mem>>)
    %dma_wait3A_332 = tpu.memref_slice %arg2[%mul3A_309] : memref<4194304xi32, #tpu.memory_space<hbm>> -> memref<8192xi32, #tpu.memory_space<hbm>>
    %dma_wait3A_333 = tpu.memref_slice %arg2[%mul3A_309] : memref<4194304xi32, #tpu.memory_space<hbm>> -> memref<8192xi32, #tpu.memory_space<hbm>>
    tpu.wait_dma2 semaphore(%arg8 : memref<!tpu.dma_semaphore, #tpu.memory_space<semaphore_mem>>) src(%dma_wait3A_333 : memref<8192xi32, #tpu.memory_space<hbm>>) dst(%arg6 : memref<8192xi32, #tpu.memory_space<vmem>>)
    %dma_wait3A_334 = tpu.memref_slice %arg3[%mul3A_309] : memref<4194304xf32, #tpu.memory_space<hbm>> -> memref<8192xf32, #tpu.memory_space<hbm>>
    %dma_wait3A_335 = tpu.memref_slice %arg3[%mul3A_309] : memref<4194304xf32, #tpu.memory_space<hbm>> -> memref<8192xf32, #tpu.memory_space<hbm>>
    tpu.wait_dma2 semaphore(%arg8 : memref<!tpu.dma_semaphore, #tpu.memory_space<semaphore_mem>>) src(%dma_wait3A_335 : memref<8192xf32, #tpu.memory_space<hbm>>) dst(%arg7 : memref<8192xf32, #tpu.memory_space<vmem>>)
    %dma_start3A_336 = arith.constant 0 : i32
    %dma_start3A_337 = tpu.memref_slice %arg19[%dma_start3A_336] : memref<1048576xf32, #tpu.memory_space<vmem_shared>> -> memref<1048576xf32, #tpu.memory_space<vmem_shared>>
    tpu.enqueue_indirect_dma source(%arg7 : memref<8192xf32, #tpu.memory_space<vmem>>) target(%dma_start3A_337 : memref<1048576xf32, #tpu.memory_space<vmem_shared>>) offsets(%arg6 : memref<8192xi32, #tpu.memory_space<vmem>>) semaphore(%arg9 : memref<!tpu.dma_semaphore, #tpu.memory_space<semaphore_mem>>) {add = true}
    %dma_wait3A_338 = arith.constant 0 : i32
    %dma_wait3A_339 = tpu.memref_slice %arg19[%dma_wait3A_338] : memref<1048576xf32, #tpu.memory_space<vmem_shared>> -> memref<1048576xf32, #tpu.memory_space<vmem_shared>>
    tpu.wait_indirect_dma semaphore(%arg17 : memref<!tpu.dma_semaphore, #tpu.memory_space<semaphore_mem>>) src(%arg15 : memref<8192xf32, #tpu.memory_space<vmem>>) dst(%dma_wait3A_339 : memref<1048576xf32, #tpu.memory_space<vmem_shared>>)
    %mul3A_340 = arith.constant 16 : i32
    %mul3A_341 = arith.muli %add3A, %mul3A_340 : i32
    %add3A_342 = arith.constant 5 : i32
    %add3A_343 = arith.addi %mul3A_341, %add3A_342 : i32
    %mul3A_344 = arith.constant 8192 : i32
    %mul3A_345 = arith.muli %add3A_343, %mul3A_344 : i32
    %dma_start3A_346 = tpu.memref_slice %arg2[%mul3A_345] : memref<4194304xi32, #tpu.memory_space<hbm>> -> memref<8192xi32, #tpu.memory_space<hbm>>
    %dma_start3A_347 = tpu.memref_slice %arg2[%mul3A_345] : memref<4194304xi32, #tpu.memory_space<hbm>> -> memref<8192xi32, #tpu.memory_space<hbm>>
    tpu.enqueue_dma source(%dma_start3A_347 : memref<8192xi32, #tpu.memory_space<hbm>>) target(%arg14 : memref<8192xi32, #tpu.memory_space<vmem>>) target_semaphore(%arg16 : memref<!tpu.dma_semaphore, #tpu.memory_space<semaphore_mem>>)
    %dma_start3A_348 = tpu.memref_slice %arg3[%mul3A_345] : memref<4194304xf32, #tpu.memory_space<hbm>> -> memref<8192xf32, #tpu.memory_space<hbm>>
    %dma_start3A_349 = tpu.memref_slice %arg3[%mul3A_345] : memref<4194304xf32, #tpu.memory_space<hbm>> -> memref<8192xf32, #tpu.memory_space<hbm>>
    tpu.enqueue_dma source(%dma_start3A_349 : memref<8192xf32, #tpu.memory_space<hbm>>) target(%arg15 : memref<8192xf32, #tpu.memory_space<vmem>>) target_semaphore(%arg16 : memref<!tpu.dma_semaphore, #tpu.memory_space<semaphore_mem>>)
    %dma_wait3A_350 = tpu.memref_slice %arg2[%mul3A_327] : memref<4194304xi32, #tpu.memory_space<hbm>> -> memref<8192xi32, #tpu.memory_space<hbm>>
    %dma_wait3A_351 = tpu.memref_slice %arg2[%mul3A_327] : memref<4194304xi32, #tpu.memory_space<hbm>> -> memref<8192xi32, #tpu.memory_space<hbm>>
    tpu.wait_dma2 semaphore(%arg12 : memref<!tpu.dma_semaphore, #tpu.memory_space<semaphore_mem>>) src(%dma_wait3A_351 : memref<8192xi32, #tpu.memory_space<hbm>>) dst(%arg10 : memref<8192xi32, #tpu.memory_space<vmem>>)
    %dma_wait3A_352 = tpu.memref_slice %arg3[%mul3A_327] : memref<4194304xf32, #tpu.memory_space<hbm>> -> memref<8192xf32, #tpu.memory_space<hbm>>
    %dma_wait3A_353 = tpu.memref_slice %arg3[%mul3A_327] : memref<4194304xf32, #tpu.memory_space<hbm>> -> memref<8192xf32, #tpu.memory_space<hbm>>
    tpu.wait_dma2 semaphore(%arg12 : memref<!tpu.dma_semaphore, #tpu.memory_space<semaphore_mem>>) src(%dma_wait3A_353 : memref<8192xf32, #tpu.memory_space<hbm>>) dst(%arg11 : memref<8192xf32, #tpu.memory_space<vmem>>)
    %dma_start3A_354 = arith.constant 0 : i32
    %dma_start3A_355 = tpu.memref_slice %arg19[%dma_start3A_354] : memref<1048576xf32, #tpu.memory_space<vmem_shared>> -> memref<1048576xf32, #tpu.memory_space<vmem_shared>>
    tpu.enqueue_indirect_dma source(%arg11 : memref<8192xf32, #tpu.memory_space<vmem>>) target(%dma_start3A_355 : memref<1048576xf32, #tpu.memory_space<vmem_shared>>) offsets(%arg10 : memref<8192xi32, #tpu.memory_space<vmem>>) semaphore(%arg13 : memref<!tpu.dma_semaphore, #tpu.memory_space<semaphore_mem>>) {add = true}
    %dma_wait3A_356 = arith.constant 0 : i32
    %dma_wait3A_357 = tpu.memref_slice %arg19[%dma_wait3A_356] : memref<1048576xf32, #tpu.memory_space<vmem_shared>> -> memref<1048576xf32, #tpu.memory_space<vmem_shared>>
    tpu.wait_indirect_dma semaphore(%arg9 : memref<!tpu.dma_semaphore, #tpu.memory_space<semaphore_mem>>) src(%arg7 : memref<8192xf32, #tpu.memory_space<vmem>>) dst(%dma_wait3A_357 : memref<1048576xf32, #tpu.memory_space<vmem_shared>>)
    %mul3A_358 = arith.constant 16 : i32
    %mul3A_359 = arith.muli %add3A, %mul3A_358 : i32
    %add3A_360 = arith.constant 6 : i32
    %add3A_361 = arith.addi %mul3A_359, %add3A_360 : i32
    %mul3A_362 = arith.constant 8192 : i32
    %mul3A_363 = arith.muli %add3A_361, %mul3A_362 : i32
    %dma_start3A_364 = tpu.memref_slice %arg2[%mul3A_363] : memref<4194304xi32, #tpu.memory_space<hbm>> -> memref<8192xi32, #tpu.memory_space<hbm>>
    %dma_start3A_365 = tpu.memref_slice %arg2[%mul3A_363] : memref<4194304xi32, #tpu.memory_space<hbm>> -> memref<8192xi32, #tpu.memory_space<hbm>>
    tpu.enqueue_dma source(%dma_start3A_365 : memref<8192xi32, #tpu.memory_space<hbm>>) target(%arg6 : memref<8192xi32, #tpu.memory_space<vmem>>) target_semaphore(%arg8 : memref<!tpu.dma_semaphore, #tpu.memory_space<semaphore_mem>>)
    %dma_start3A_366 = tpu.memref_slice %arg3[%mul3A_363] : memref<4194304xf32, #tpu.memory_space<hbm>> -> memref<8192xf32, #tpu.memory_space<hbm>>
    %dma_start3A_367 = tpu.memref_slice %arg3[%mul3A_363] : memref<4194304xf32, #tpu.memory_space<hbm>> -> memref<8192xf32, #tpu.memory_space<hbm>>
    tpu.enqueue_dma source(%dma_start3A_367 : memref<8192xf32, #tpu.memory_space<hbm>>) target(%arg7 : memref<8192xf32, #tpu.memory_space<vmem>>) target_semaphore(%arg8 : memref<!tpu.dma_semaphore, #tpu.memory_space<semaphore_mem>>)
    %dma_wait3A_368 = tpu.memref_slice %arg2[%mul3A_345] : memref<4194304xi32, #tpu.memory_space<hbm>> -> memref<8192xi32, #tpu.memory_space<hbm>>
    %dma_wait3A_369 = tpu.memref_slice %arg2[%mul3A_345] : memref<4194304xi32, #tpu.memory_space<hbm>> -> memref<8192xi32, #tpu.memory_space<hbm>>
    tpu.wait_dma2 semaphore(%arg16 : memref<!tpu.dma_semaphore, #tpu.memory_space<semaphore_mem>>) src(%dma_wait3A_369 : memref<8192xi32, #tpu.memory_space<hbm>>) dst(%arg14 : memref<8192xi32, #tpu.memory_space<vmem>>)
    %dma_wait3A_370 = tpu.memref_slice %arg3[%mul3A_345] : memref<4194304xf32, #tpu.memory_space<hbm>> -> memref<8192xf32, #tpu.memory_space<hbm>>
    %dma_wait3A_371 = tpu.memref_slice %arg3[%mul3A_345] : memref<4194304xf32, #tpu.memory_space<hbm>> -> memref<8192xf32, #tpu.memory_space<hbm>>
    tpu.wait_dma2 semaphore(%arg16 : memref<!tpu.dma_semaphore, #tpu.memory_space<semaphore_mem>>) src(%dma_wait3A_371 : memref<8192xf32, #tpu.memory_space<hbm>>) dst(%arg15 : memref<8192xf32, #tpu.memory_space<vmem>>)
    %dma_start3A_372 = arith.constant 0 : i32
    %dma_start3A_373 = tpu.memref_slice %arg19[%dma_start3A_372] : memref<1048576xf32, #tpu.memory_space<vmem_shared>> -> memref<1048576xf32, #tpu.memory_space<vmem_shared>>
    tpu.enqueue_indirect_dma source(%arg15 : memref<8192xf32, #tpu.memory_space<vmem>>) target(%dma_start3A_373 : memref<1048576xf32, #tpu.memory_space<vmem_shared>>) offsets(%arg14 : memref<8192xi32, #tpu.memory_space<vmem>>) semaphore(%arg17 : memref<!tpu.dma_semaphore, #tpu.memory_space<semaphore_mem>>) {add = true}
    %dma_wait3A_374 = arith.constant 0 : i32
    %dma_wait3A_375 = tpu.memref_slice %arg19[%dma_wait3A_374] : memref<1048576xf32, #tpu.memory_space<vmem_shared>> -> memref<1048576xf32, #tpu.memory_space<vmem_shared>>
    tpu.wait_indirect_dma semaphore(%arg13 : memref<!tpu.dma_semaphore, #tpu.memory_space<semaphore_mem>>) src(%arg11 : memref<8192xf32, #tpu.memory_space<vmem>>) dst(%dma_wait3A_375 : memref<1048576xf32, #tpu.memory_space<vmem_shared>>)
    %mul3A_376 = arith.constant 16 : i32
    %mul3A_377 = arith.muli %add3A, %mul3A_376 : i32
    %add3A_378 = arith.constant 7 : i32
    %add3A_379 = arith.addi %mul3A_377, %add3A_378 : i32
    %mul3A_380 = arith.constant 8192 : i32
    %mul3A_381 = arith.muli %add3A_379, %mul3A_380 : i32
    %dma_start3A_382 = tpu.memref_slice %arg2[%mul3A_381] : memref<4194304xi32, #tpu.memory_space<hbm>> -> memref<8192xi32, #tpu.memory_space<hbm>>
    %dma_start3A_383 = tpu.memref_slice %arg2[%mul3A_381] : memref<4194304xi32, #tpu.memory_space<hbm>> -> memref<8192xi32, #tpu.memory_space<hbm>>
    tpu.enqueue_dma source(%dma_start3A_383 : memref<8192xi32, #tpu.memory_space<hbm>>) target(%arg10 : memref<8192xi32, #tpu.memory_space<vmem>>) target_semaphore(%arg12 : memref<!tpu.dma_semaphore, #tpu.memory_space<semaphore_mem>>)
    %dma_start3A_384 = tpu.memref_slice %arg3[%mul3A_381] : memref<4194304xf32, #tpu.memory_space<hbm>> -> memref<8192xf32, #tpu.memory_space<hbm>>
    %dma_start3A_385 = tpu.memref_slice %arg3[%mul3A_381] : memref<4194304xf32, #tpu.memory_space<hbm>> -> memref<8192xf32, #tpu.memory_space<hbm>>
    tpu.enqueue_dma source(%dma_start3A_385 : memref<8192xf32, #tpu.memory_space<hbm>>) target(%arg11 : memref<8192xf32, #tpu.memory_space<vmem>>) target_semaphore(%arg12 : memref<!tpu.dma_semaphore, #tpu.memory_space<semaphore_mem>>)
    %dma_wait3A_386 = tpu.memref_slice %arg2[%mul3A_363] : memref<4194304xi32, #tpu.memory_space<hbm>> -> memref<8192xi32, #tpu.memory_space<hbm>>
    %dma_wait3A_387 = tpu.memref_slice %arg2[%mul3A_363] : memref<4194304xi32, #tpu.memory_space<hbm>> -> memref<8192xi32, #tpu.memory_space<hbm>>
    tpu.wait_dma2 semaphore(%arg8 : memref<!tpu.dma_semaphore, #tpu.memory_space<semaphore_mem>>) src(%dma_wait3A_387 : memref<8192xi32, #tpu.memory_space<hbm>>) dst(%arg6 : memref<8192xi32, #tpu.memory_space<vmem>>)
    %dma_wait3A_388 = tpu.memref_slice %arg3[%mul3A_363] : memref<4194304xf32, #tpu.memory_space<hbm>> -> memref<8192xf32, #tpu.memory_space<hbm>>
    %dma_wait3A_389 = tpu.memref_slice %arg3[%mul3A_363] : memref<4194304xf32, #tpu.memory_space<hbm>> -> memref<8192xf32, #tpu.memory_space<hbm>>
    tpu.wait_dma2 semaphore(%arg8 : memref<!tpu.dma_semaphore, #tpu.memory_space<semaphore_mem>>) src(%dma_wait3A_389 : memref<8192xf32, #tpu.memory_space<hbm>>) dst(%arg7 : memref<8192xf32, #tpu.memory_space<vmem>>)
    %dma_start3A_390 = arith.constant 0 : i32
    %dma_start3A_391 = tpu.memref_slice %arg19[%dma_start3A_390] : memref<1048576xf32, #tpu.memory_space<vmem_shared>> -> memref<1048576xf32, #tpu.memory_space<vmem_shared>>
    tpu.enqueue_indirect_dma source(%arg7 : memref<8192xf32, #tpu.memory_space<vmem>>) target(%dma_start3A_391 : memref<1048576xf32, #tpu.memory_space<vmem_shared>>) offsets(%arg6 : memref<8192xi32, #tpu.memory_space<vmem>>) semaphore(%arg9 : memref<!tpu.dma_semaphore, #tpu.memory_space<semaphore_mem>>) {add = true}
    %dma_wait3A_392 = arith.constant 0 : i32
    %dma_wait3A_393 = tpu.memref_slice %arg19[%dma_wait3A_392] : memref<1048576xf32, #tpu.memory_space<vmem_shared>> -> memref<1048576xf32, #tpu.memory_space<vmem_shared>>
    tpu.wait_indirect_dma semaphore(%arg17 : memref<!tpu.dma_semaphore, #tpu.memory_space<semaphore_mem>>) src(%arg15 : memref<8192xf32, #tpu.memory_space<vmem>>) dst(%dma_wait3A_393 : memref<1048576xf32, #tpu.memory_space<vmem_shared>>)
    %mul3A_394 = arith.constant 16 : i32
    %mul3A_395 = arith.muli %add3A, %mul3A_394 : i32
    %add3A_396 = arith.constant 8 : i32
    %add3A_397 = arith.addi %mul3A_395, %add3A_396 : i32
    %mul3A_398 = arith.constant 8192 : i32
    %mul3A_399 = arith.muli %add3A_397, %mul3A_398 : i32
    %dma_start3A_400 = tpu.memref_slice %arg2[%mul3A_399] : memref<4194304xi32, #tpu.memory_space<hbm>> -> memref<8192xi32, #tpu.memory_space<hbm>>
    %dma_start3A_401 = tpu.memref_slice %arg2[%mul3A_399] : memref<4194304xi32, #tpu.memory_space<hbm>> -> memref<8192xi32, #tpu.memory_space<hbm>>
    tpu.enqueue_dma source(%dma_start3A_401 : memref<8192xi32, #tpu.memory_space<hbm>>) target(%arg14 : memref<8192xi32, #tpu.memory_space<vmem>>) target_semaphore(%arg16 : memref<!tpu.dma_semaphore, #tpu.memory_space<semaphore_mem>>)
    %dma_start3A_402 = tpu.memref_slice %arg3[%mul3A_399] : memref<4194304xf32, #tpu.memory_space<hbm>> -> memref<8192xf32, #tpu.memory_space<hbm>>
    %dma_start3A_403 = tpu.memref_slice %arg3[%mul3A_399] : memref<4194304xf32, #tpu.memory_space<hbm>> -> memref<8192xf32, #tpu.memory_space<hbm>>
    tpu.enqueue_dma source(%dma_start3A_403 : memref<8192xf32, #tpu.memory_space<hbm>>) target(%arg15 : memref<8192xf32, #tpu.memory_space<vmem>>) target_semaphore(%arg16 : memref<!tpu.dma_semaphore, #tpu.memory_space<semaphore_mem>>)
    %dma_wait3A_404 = tpu.memref_slice %arg2[%mul3A_381] : memref<4194304xi32, #tpu.memory_space<hbm>> -> memref<8192xi32, #tpu.memory_space<hbm>>
    %dma_wait3A_405 = tpu.memref_slice %arg2[%mul3A_381] : memref<4194304xi32, #tpu.memory_space<hbm>> -> memref<8192xi32, #tpu.memory_space<hbm>>
    tpu.wait_dma2 semaphore(%arg12 : memref<!tpu.dma_semaphore, #tpu.memory_space<semaphore_mem>>) src(%dma_wait3A_405 : memref<8192xi32, #tpu.memory_space<hbm>>) dst(%arg10 : memref<8192xi32, #tpu.memory_space<vmem>>)
    %dma_wait3A_406 = tpu.memref_slice %arg3[%mul3A_381] : memref<4194304xf32, #tpu.memory_space<hbm>> -> memref<8192xf32, #tpu.memory_space<hbm>>
    %dma_wait3A_407 = tpu.memref_slice %arg3[%mul3A_381] : memref<4194304xf32, #tpu.memory_space<hbm>> -> memref<8192xf32, #tpu.memory_space<hbm>>
    tpu.wait_dma2 semaphore(%arg12 : memref<!tpu.dma_semaphore, #tpu.memory_space<semaphore_mem>>) src(%dma_wait3A_407 : memref<8192xf32, #tpu.memory_space<hbm>>) dst(%arg11 : memref<8192xf32, #tpu.memory_space<vmem>>)
    %dma_start3A_408 = arith.constant 0 : i32
    %dma_start3A_409 = tpu.memref_slice %arg19[%dma_start3A_408] : memref<1048576xf32, #tpu.memory_space<vmem_shared>> -> memref<1048576xf32, #tpu.memory_space<vmem_shared>>
    tpu.enqueue_indirect_dma source(%arg11 : memref<8192xf32, #tpu.memory_space<vmem>>) target(%dma_start3A_409 : memref<1048576xf32, #tpu.memory_space<vmem_shared>>) offsets(%arg10 : memref<8192xi32, #tpu.memory_space<vmem>>) semaphore(%arg13 : memref<!tpu.dma_semaphore, #tpu.memory_space<semaphore_mem>>) {add = true}
    %dma_wait3A_410 = arith.constant 0 : i32
    %dma_wait3A_411 = tpu.memref_slice %arg19[%dma_wait3A_410] : memref<1048576xf32, #tpu.memory_space<vmem_shared>> -> memref<1048576xf32, #tpu.memory_space<vmem_shared>>
    tpu.wait_indirect_dma semaphore(%arg9 : memref<!tpu.dma_semaphore, #tpu.memory_space<semaphore_mem>>) src(%arg7 : memref<8192xf32, #tpu.memory_space<vmem>>) dst(%dma_wait3A_411 : memref<1048576xf32, #tpu.memory_space<vmem_shared>>)
    %mul3A_412 = arith.constant 16 : i32
    %mul3A_413 = arith.muli %add3A, %mul3A_412 : i32
    %add3A_414 = arith.constant 9 : i32
    %add3A_415 = arith.addi %mul3A_413, %add3A_414 : i32
    %mul3A_416 = arith.constant 8192 : i32
    %mul3A_417 = arith.muli %add3A_415, %mul3A_416 : i32
    %dma_start3A_418 = tpu.memref_slice %arg2[%mul3A_417] : memref<4194304xi32, #tpu.memory_space<hbm>> -> memref<8192xi32, #tpu.memory_space<hbm>>
    %dma_start3A_419 = tpu.memref_slice %arg2[%mul3A_417] : memref<4194304xi32, #tpu.memory_space<hbm>> -> memref<8192xi32, #tpu.memory_space<hbm>>
    tpu.enqueue_dma source(%dma_start3A_419 : memref<8192xi32, #tpu.memory_space<hbm>>) target(%arg6 : memref<8192xi32, #tpu.memory_space<vmem>>) target_semaphore(%arg8 : memref<!tpu.dma_semaphore, #tpu.memory_space<semaphore_mem>>)
    %dma_start3A_420 = tpu.memref_slice %arg3[%mul3A_417] : memref<4194304xf32, #tpu.memory_space<hbm>> -> memref<8192xf32, #tpu.memory_space<hbm>>
    %dma_start3A_421 = tpu.memref_slice %arg3[%mul3A_417] : memref<4194304xf32, #tpu.memory_space<hbm>> -> memref<8192xf32, #tpu.memory_space<hbm>>
    tpu.enqueue_dma source(%dma_start3A_421 : memref<8192xf32, #tpu.memory_space<hbm>>) target(%arg7 : memref<8192xf32, #tpu.memory_space<vmem>>) target_semaphore(%arg8 : memref<!tpu.dma_semaphore, #tpu.memory_space<semaphore_mem>>)
    %dma_wait3A_422 = tpu.memref_slice %arg2[%mul3A_399] : memref<4194304xi32, #tpu.memory_space<hbm>> -> memref<8192xi32, #tpu.memory_space<hbm>>
    %dma_wait3A_423 = tpu.memref_slice %arg2[%mul3A_399] : memref<4194304xi32, #tpu.memory_space<hbm>> -> memref<8192xi32, #tpu.memory_space<hbm>>
    tpu.wait_dma2 semaphore(%arg16 : memref<!tpu.dma_semaphore, #tpu.memory_space<semaphore_mem>>) src(%dma_wait3A_423 : memref<8192xi32, #tpu.memory_space<hbm>>) dst(%arg14 : memref<8192xi32, #tpu.memory_space<vmem>>)
    %dma_wait3A_424 = tpu.memref_slice %arg3[%mul3A_399] : memref<4194304xf32, #tpu.memory_space<hbm>> -> memref<8192xf32, #tpu.memory_space<hbm>>
    %dma_wait3A_425 = tpu.memref_slice %arg3[%mul3A_399] : memref<4194304xf32, #tpu.memory_space<hbm>> -> memref<8192xf32, #tpu.memory_space<hbm>>
    tpu.wait_dma2 semaphore(%arg16 : memref<!tpu.dma_semaphore, #tpu.memory_space<semaphore_mem>>) src(%dma_wait3A_425 : memref<8192xf32, #tpu.memory_space<hbm>>) dst(%arg15 : memref<8192xf32, #tpu.memory_space<vmem>>)
    %dma_start3A_426 = arith.constant 0 : i32
    %dma_start3A_427 = tpu.memref_slice %arg19[%dma_start3A_426] : memref<1048576xf32, #tpu.memory_space<vmem_shared>> -> memref<1048576xf32, #tpu.memory_space<vmem_shared>>
    tpu.enqueue_indirect_dma source(%arg15 : memref<8192xf32, #tpu.memory_space<vmem>>) target(%dma_start3A_427 : memref<1048576xf32, #tpu.memory_space<vmem_shared>>) offsets(%arg14 : memref<8192xi32, #tpu.memory_space<vmem>>) semaphore(%arg17 : memref<!tpu.dma_semaphore, #tpu.memory_space<semaphore_mem>>) {add = true}
    %dma_wait3A_428 = arith.constant 0 : i32
    %dma_wait3A_429 = tpu.memref_slice %arg19[%dma_wait3A_428] : memref<1048576xf32, #tpu.memory_space<vmem_shared>> -> memref<1048576xf32, #tpu.memory_space<vmem_shared>>
    tpu.wait_indirect_dma semaphore(%arg13 : memref<!tpu.dma_semaphore, #tpu.memory_space<semaphore_mem>>) src(%arg11 : memref<8192xf32, #tpu.memory_space<vmem>>) dst(%dma_wait3A_429 : memref<1048576xf32, #tpu.memory_space<vmem_shared>>)
    %mul3A_430 = arith.constant 16 : i32
    %mul3A_431 = arith.muli %add3A, %mul3A_430 : i32
    %add3A_432 = arith.constant 10 : i32
    %add3A_433 = arith.addi %mul3A_431, %add3A_432 : i32
    %mul3A_434 = arith.constant 8192 : i32
    %mul3A_435 = arith.muli %add3A_433, %mul3A_434 : i32
    %dma_start3A_436 = tpu.memref_slice %arg2[%mul3A_435] : memref<4194304xi32, #tpu.memory_space<hbm>> -> memref<8192xi32, #tpu.memory_space<hbm>>
    %dma_start3A_437 = tpu.memref_slice %arg2[%mul3A_435] : memref<4194304xi32, #tpu.memory_space<hbm>> -> memref<8192xi32, #tpu.memory_space<hbm>>
    tpu.enqueue_dma source(%dma_start3A_437 : memref<8192xi32, #tpu.memory_space<hbm>>) target(%arg10 : memref<8192xi32, #tpu.memory_space<vmem>>) target_semaphore(%arg12 : memref<!tpu.dma_semaphore, #tpu.memory_space<semaphore_mem>>)
    %dma_start3A_438 = tpu.memref_slice %arg3[%mul3A_435] : memref<4194304xf32, #tpu.memory_space<hbm>> -> memref<8192xf32, #tpu.memory_space<hbm>>
    %dma_start3A_439 = tpu.memref_slice %arg3[%mul3A_435] : memref<4194304xf32, #tpu.memory_space<hbm>> -> memref<8192xf32, #tpu.memory_space<hbm>>
    tpu.enqueue_dma source(%dma_start3A_439 : memref<8192xf32, #tpu.memory_space<hbm>>) target(%arg11 : memref<8192xf32, #tpu.memory_space<vmem>>) target_semaphore(%arg12 : memref<!tpu.dma_semaphore, #tpu.memory_space<semaphore_mem>>)
    %dma_wait3A_440 = tpu.memref_slice %arg2[%mul3A_417] : memref<4194304xi32, #tpu.memory_space<hbm>> -> memref<8192xi32, #tpu.memory_space<hbm>>
    %dma_wait3A_441 = tpu.memref_slice %arg2[%mul3A_417] : memref<4194304xi32, #tpu.memory_space<hbm>> -> memref<8192xi32, #tpu.memory_space<hbm>>
    tpu.wait_dma2 semaphore(%arg8 : memref<!tpu.dma_semaphore, #tpu.memory_space<semaphore_mem>>) src(%dma_wait3A_441 : memref<8192xi32, #tpu.memory_space<hbm>>) dst(%arg6 : memref<8192xi32, #tpu.memory_space<vmem>>)
    %dma_wait3A_442 = tpu.memref_slice %arg3[%mul3A_417] : memref<4194304xf32, #tpu.memory_space<hbm>> -> memref<8192xf32, #tpu.memory_space<hbm>>
    %dma_wait3A_443 = tpu.memref_slice %arg3[%mul3A_417] : memref<4194304xf32, #tpu.memory_space<hbm>> -> memref<8192xf32, #tpu.memory_space<hbm>>
    tpu.wait_dma2 semaphore(%arg8 : memref<!tpu.dma_semaphore, #tpu.memory_space<semaphore_mem>>) src(%dma_wait3A_443 : memref<8192xf32, #tpu.memory_space<hbm>>) dst(%arg7 : memref<8192xf32, #tpu.memory_space<vmem>>)
    %dma_start3A_444 = arith.constant 0 : i32
    %dma_start3A_445 = tpu.memref_slice %arg19[%dma_start3A_444] : memref<1048576xf32, #tpu.memory_space<vmem_shared>> -> memref<1048576xf32, #tpu.memory_space<vmem_shared>>
    tpu.enqueue_indirect_dma source(%arg7 : memref<8192xf32, #tpu.memory_space<vmem>>) target(%dma_start3A_445 : memref<1048576xf32, #tpu.memory_space<vmem_shared>>) offsets(%arg6 : memref<8192xi32, #tpu.memory_space<vmem>>) semaphore(%arg9 : memref<!tpu.dma_semaphore, #tpu.memory_space<semaphore_mem>>) {add = true}
    %dma_wait3A_446 = arith.constant 0 : i32
    %dma_wait3A_447 = tpu.memref_slice %arg19[%dma_wait3A_446] : memref<1048576xf32, #tpu.memory_space<vmem_shared>> -> memref<1048576xf32, #tpu.memory_space<vmem_shared>>
    tpu.wait_indirect_dma semaphore(%arg17 : memref<!tpu.dma_semaphore, #tpu.memory_space<semaphore_mem>>) src(%arg15 : memref<8192xf32, #tpu.memory_space<vmem>>) dst(%dma_wait3A_447 : memref<1048576xf32, #tpu.memory_space<vmem_shared>>)
    %mul3A_448 = arith.constant 16 : i32
    %mul3A_449 = arith.muli %add3A, %mul3A_448 : i32
    %add3A_450 = arith.constant 11 : i32
    %add3A_451 = arith.addi %mul3A_449, %add3A_450 : i32
    %mul3A_452 = arith.constant 8192 : i32
    %mul3A_453 = arith.muli %add3A_451, %mul3A_452 : i32
    %dma_start3A_454 = tpu.memref_slice %arg2[%mul3A_453] : memref<4194304xi32, #tpu.memory_space<hbm>> -> memref<8192xi32, #tpu.memory_space<hbm>>
    %dma_start3A_455 = tpu.memref_slice %arg2[%mul3A_453] : memref<4194304xi32, #tpu.memory_space<hbm>> -> memref<8192xi32, #tpu.memory_space<hbm>>
    tpu.enqueue_dma source(%dma_start3A_455 : memref<8192xi32, #tpu.memory_space<hbm>>) target(%arg14 : memref<8192xi32, #tpu.memory_space<vmem>>) target_semaphore(%arg16 : memref<!tpu.dma_semaphore, #tpu.memory_space<semaphore_mem>>)
    %dma_start3A_456 = tpu.memref_slice %arg3[%mul3A_453] : memref<4194304xf32, #tpu.memory_space<hbm>> -> memref<8192xf32, #tpu.memory_space<hbm>>
    %dma_start3A_457 = tpu.memref_slice %arg3[%mul3A_453] : memref<4194304xf32, #tpu.memory_space<hbm>> -> memref<8192xf32, #tpu.memory_space<hbm>>
    tpu.enqueue_dma source(%dma_start3A_457 : memref<8192xf32, #tpu.memory_space<hbm>>) target(%arg15 : memref<8192xf32, #tpu.memory_space<vmem>>) target_semaphore(%arg16 : memref<!tpu.dma_semaphore, #tpu.memory_space<semaphore_mem>>)
    %dma_wait3A_458 = tpu.memref_slice %arg2[%mul3A_435] : memref<4194304xi32, #tpu.memory_space<hbm>> -> memref<8192xi32, #tpu.memory_space<hbm>>
    %dma_wait3A_459 = tpu.memref_slice %arg2[%mul3A_435] : memref<4194304xi32, #tpu.memory_space<hbm>> -> memref<8192xi32, #tpu.memory_space<hbm>>
    tpu.wait_dma2 semaphore(%arg12 : memref<!tpu.dma_semaphore, #tpu.memory_space<semaphore_mem>>) src(%dma_wait3A_459 : memref<8192xi32, #tpu.memory_space<hbm>>) dst(%arg10 : memref<8192xi32, #tpu.memory_space<vmem>>)
    %dma_wait3A_460 = tpu.memref_slice %arg3[%mul3A_435] : memref<4194304xf32, #tpu.memory_space<hbm>> -> memref<8192xf32, #tpu.memory_space<hbm>>
    %dma_wait3A_461 = tpu.memref_slice %arg3[%mul3A_435] : memref<4194304xf32, #tpu.memory_space<hbm>> -> memref<8192xf32, #tpu.memory_space<hbm>>
    tpu.wait_dma2 semaphore(%arg12 : memref<!tpu.dma_semaphore, #tpu.memory_space<semaphore_mem>>) src(%dma_wait3A_461 : memref<8192xf32, #tpu.memory_space<hbm>>) dst(%arg11 : memref<8192xf32, #tpu.memory_space<vmem>>)
    %dma_start3A_462 = arith.constant 0 : i32
    %dma_start3A_463 = tpu.memref_slice %arg19[%dma_start3A_462] : memref<1048576xf32, #tpu.memory_space<vmem_shared>> -> memref<1048576xf32, #tpu.memory_space<vmem_shared>>
    tpu.enqueue_indirect_dma source(%arg11 : memref<8192xf32, #tpu.memory_space<vmem>>) target(%dma_start3A_463 : memref<1048576xf32, #tpu.memory_space<vmem_shared>>) offsets(%arg10 : memref<8192xi32, #tpu.memory_space<vmem>>) semaphore(%arg13 : memref<!tpu.dma_semaphore, #tpu.memory_space<semaphore_mem>>) {add = true}
    %dma_wait3A_464 = arith.constant 0 : i32
    %dma_wait3A_465 = tpu.memref_slice %arg19[%dma_wait3A_464] : memref<1048576xf32, #tpu.memory_space<vmem_shared>> -> memref<1048576xf32, #tpu.memory_space<vmem_shared>>
    tpu.wait_indirect_dma semaphore(%arg9 : memref<!tpu.dma_semaphore, #tpu.memory_space<semaphore_mem>>) src(%arg7 : memref<8192xf32, #tpu.memory_space<vmem>>) dst(%dma_wait3A_465 : memref<1048576xf32, #tpu.memory_space<vmem_shared>>)
    %mul3A_466 = arith.constant 16 : i32
    %mul3A_467 = arith.muli %add3A, %mul3A_466 : i32
    %add3A_468 = arith.constant 12 : i32
    %add3A_469 = arith.addi %mul3A_467, %add3A_468 : i32
    %mul3A_470 = arith.constant 8192 : i32
    %mul3A_471 = arith.muli %add3A_469, %mul3A_470 : i32
    %dma_start3A_472 = tpu.memref_slice %arg2[%mul3A_471] : memref<4194304xi32, #tpu.memory_space<hbm>> -> memref<8192xi32, #tpu.memory_space<hbm>>
    %dma_start3A_473 = tpu.memref_slice %arg2[%mul3A_471] : memref<4194304xi32, #tpu.memory_space<hbm>> -> memref<8192xi32, #tpu.memory_space<hbm>>
    tpu.enqueue_dma source(%dma_start3A_473 : memref<8192xi32, #tpu.memory_space<hbm>>) target(%arg6 : memref<8192xi32, #tpu.memory_space<vmem>>) target_semaphore(%arg8 : memref<!tpu.dma_semaphore, #tpu.memory_space<semaphore_mem>>)
    %dma_start3A_474 = tpu.memref_slice %arg3[%mul3A_471] : memref<4194304xf32, #tpu.memory_space<hbm>> -> memref<8192xf32, #tpu.memory_space<hbm>>
    %dma_start3A_475 = tpu.memref_slice %arg3[%mul3A_471] : memref<4194304xf32, #tpu.memory_space<hbm>> -> memref<8192xf32, #tpu.memory_space<hbm>>
    tpu.enqueue_dma source(%dma_start3A_475 : memref<8192xf32, #tpu.memory_space<hbm>>) target(%arg7 : memref<8192xf32, #tpu.memory_space<vmem>>) target_semaphore(%arg8 : memref<!tpu.dma_semaphore, #tpu.memory_space<semaphore_mem>>)
    %dma_wait3A_476 = tpu.memref_slice %arg2[%mul3A_453] : memref<4194304xi32, #tpu.memory_space<hbm>> -> memref<8192xi32, #tpu.memory_space<hbm>>
    %dma_wait3A_477 = tpu.memref_slice %arg2[%mul3A_453] : memref<4194304xi32, #tpu.memory_space<hbm>> -> memref<8192xi32, #tpu.memory_space<hbm>>
    tpu.wait_dma2 semaphore(%arg16 : memref<!tpu.dma_semaphore, #tpu.memory_space<semaphore_mem>>) src(%dma_wait3A_477 : memref<8192xi32, #tpu.memory_space<hbm>>) dst(%arg14 : memref<8192xi32, #tpu.memory_space<vmem>>)
    %dma_wait3A_478 = tpu.memref_slice %arg3[%mul3A_453] : memref<4194304xf32, #tpu.memory_space<hbm>> -> memref<8192xf32, #tpu.memory_space<hbm>>
    %dma_wait3A_479 = tpu.memref_slice %arg3[%mul3A_453] : memref<4194304xf32, #tpu.memory_space<hbm>> -> memref<8192xf32, #tpu.memory_space<hbm>>
    tpu.wait_dma2 semaphore(%arg16 : memref<!tpu.dma_semaphore, #tpu.memory_space<semaphore_mem>>) src(%dma_wait3A_479 : memref<8192xf32, #tpu.memory_space<hbm>>) dst(%arg15 : memref<8192xf32, #tpu.memory_space<vmem>>)
    %dma_start3A_480 = arith.constant 0 : i32
    %dma_start3A_481 = tpu.memref_slice %arg19[%dma_start3A_480] : memref<1048576xf32, #tpu.memory_space<vmem_shared>> -> memref<1048576xf32, #tpu.memory_space<vmem_shared>>
    tpu.enqueue_indirect_dma source(%arg15 : memref<8192xf32, #tpu.memory_space<vmem>>) target(%dma_start3A_481 : memref<1048576xf32, #tpu.memory_space<vmem_shared>>) offsets(%arg14 : memref<8192xi32, #tpu.memory_space<vmem>>) semaphore(%arg17 : memref<!tpu.dma_semaphore, #tpu.memory_space<semaphore_mem>>) {add = true}
    %dma_wait3A_482 = arith.constant 0 : i32
    %dma_wait3A_483 = tpu.memref_slice %arg19[%dma_wait3A_482] : memref<1048576xf32, #tpu.memory_space<vmem_shared>> -> memref<1048576xf32, #tpu.memory_space<vmem_shared>>
    tpu.wait_indirect_dma semaphore(%arg13 : memref<!tpu.dma_semaphore, #tpu.memory_space<semaphore_mem>>) src(%arg11 : memref<8192xf32, #tpu.memory_space<vmem>>) dst(%dma_wait3A_483 : memref<1048576xf32, #tpu.memory_space<vmem_shared>>)
    %mul3A_484 = arith.constant 16 : i32
    %mul3A_485 = arith.muli %add3A, %mul3A_484 : i32
    %add3A_486 = arith.constant 13 : i32
    %add3A_487 = arith.addi %mul3A_485, %add3A_486 : i32
    %mul3A_488 = arith.constant 8192 : i32
    %mul3A_489 = arith.muli %add3A_487, %mul3A_488 : i32
    %dma_start3A_490 = tpu.memref_slice %arg2[%mul3A_489] : memref<4194304xi32, #tpu.memory_space<hbm>> -> memref<8192xi32, #tpu.memory_space<hbm>>
    %dma_start3A_491 = tpu.memref_slice %arg2[%mul3A_489] : memref<4194304xi32, #tpu.memory_space<hbm>> -> memref<8192xi32, #tpu.memory_space<hbm>>
    tpu.enqueue_dma source(%dma_start3A_491 : memref<8192xi32, #tpu.memory_space<hbm>>) target(%arg10 : memref<8192xi32, #tpu.memory_space<vmem>>) target_semaphore(%arg12 : memref<!tpu.dma_semaphore, #tpu.memory_space<semaphore_mem>>)
    %dma_start3A_492 = tpu.memref_slice %arg3[%mul3A_489] : memref<4194304xf32, #tpu.memory_space<hbm>> -> memref<8192xf32, #tpu.memory_space<hbm>>
    %dma_start3A_493 = tpu.memref_slice %arg3[%mul3A_489] : memref<4194304xf32, #tpu.memory_space<hbm>> -> memref<8192xf32, #tpu.memory_space<hbm>>
    tpu.enqueue_dma source(%dma_start3A_493 : memref<8192xf32, #tpu.memory_space<hbm>>) target(%arg11 : memref<8192xf32, #tpu.memory_space<vmem>>) target_semaphore(%arg12 : memref<!tpu.dma_semaphore, #tpu.memory_space<semaphore_mem>>)
    %dma_wait3A_494 = tpu.memref_slice %arg2[%mul3A_471] : memref<4194304xi32, #tpu.memory_space<hbm>> -> memref<8192xi32, #tpu.memory_space<hbm>>
    %dma_wait3A_495 = tpu.memref_slice %arg2[%mul3A_471] : memref<4194304xi32, #tpu.memory_space<hbm>> -> memref<8192xi32, #tpu.memory_space<hbm>>
    tpu.wait_dma2 semaphore(%arg8 : memref<!tpu.dma_semaphore, #tpu.memory_space<semaphore_mem>>) src(%dma_wait3A_495 : memref<8192xi32, #tpu.memory_space<hbm>>) dst(%arg6 : memref<8192xi32, #tpu.memory_space<vmem>>)
    %dma_wait3A_496 = tpu.memref_slice %arg3[%mul3A_471] : memref<4194304xf32, #tpu.memory_space<hbm>> -> memref<8192xf32, #tpu.memory_space<hbm>>
    %dma_wait3A_497 = tpu.memref_slice %arg3[%mul3A_471] : memref<4194304xf32, #tpu.memory_space<hbm>> -> memref<8192xf32, #tpu.memory_space<hbm>>
    tpu.wait_dma2 semaphore(%arg8 : memref<!tpu.dma_semaphore, #tpu.memory_space<semaphore_mem>>) src(%dma_wait3A_497 : memref<8192xf32, #tpu.memory_space<hbm>>) dst(%arg7 : memref<8192xf32, #tpu.memory_space<vmem>>)
    %dma_start3A_498 = arith.constant 0 : i32
    %dma_start3A_499 = tpu.memref_slice %arg19[%dma_start3A_498] : memref<1048576xf32, #tpu.memory_space<vmem_shared>> -> memref<1048576xf32, #tpu.memory_space<vmem_shared>>
    tpu.enqueue_indirect_dma source(%arg7 : memref<8192xf32, #tpu.memory_space<vmem>>) target(%dma_start3A_499 : memref<1048576xf32, #tpu.memory_space<vmem_shared>>) offsets(%arg6 : memref<8192xi32, #tpu.memory_space<vmem>>) semaphore(%arg9 : memref<!tpu.dma_semaphore, #tpu.memory_space<semaphore_mem>>) {add = true}
    %dma_wait3A_500 = arith.constant 0 : i32
    %dma_wait3A_501 = tpu.memref_slice %arg19[%dma_wait3A_500] : memref<1048576xf32, #tpu.memory_space<vmem_shared>> -> memref<1048576xf32, #tpu.memory_space<vmem_shared>>
    tpu.wait_indirect_dma semaphore(%arg17 : memref<!tpu.dma_semaphore, #tpu.memory_space<semaphore_mem>>) src(%arg15 : memref<8192xf32, #tpu.memory_space<vmem>>) dst(%dma_wait3A_501 : memref<1048576xf32, #tpu.memory_space<vmem_shared>>)
    %mul3A_502 = arith.constant 16 : i32
    %mul3A_503 = arith.muli %add3A, %mul3A_502 : i32
    %add3A_504 = arith.constant 14 : i32
    %add3A_505 = arith.addi %mul3A_503, %add3A_504 : i32
    %mul3A_506 = arith.constant 8192 : i32
    %mul3A_507 = arith.muli %add3A_505, %mul3A_506 : i32
    %dma_start3A_508 = tpu.memref_slice %arg2[%mul3A_507] : memref<4194304xi32, #tpu.memory_space<hbm>> -> memref<8192xi32, #tpu.memory_space<hbm>>
    %dma_start3A_509 = tpu.memref_slice %arg2[%mul3A_507] : memref<4194304xi32, #tpu.memory_space<hbm>> -> memref<8192xi32, #tpu.memory_space<hbm>>
    tpu.enqueue_dma source(%dma_start3A_509 : memref<8192xi32, #tpu.memory_space<hbm>>) target(%arg14 : memref<8192xi32, #tpu.memory_space<vmem>>) target_semaphore(%arg16 : memref<!tpu.dma_semaphore, #tpu.memory_space<semaphore_mem>>)
    %dma_start3A_510 = tpu.memref_slice %arg3[%mul3A_507] : memref<4194304xf32, #tpu.memory_space<hbm>> -> memref<8192xf32, #tpu.memory_space<hbm>>
    %dma_start3A_511 = tpu.memref_slice %arg3[%mul3A_507] : memref<4194304xf32, #tpu.memory_space<hbm>> -> memref<8192xf32, #tpu.memory_space<hbm>>
    tpu.enqueue_dma source(%dma_start3A_511 : memref<8192xf32, #tpu.memory_space<hbm>>) target(%arg15 : memref<8192xf32, #tpu.memory_space<vmem>>) target_semaphore(%arg16 : memref<!tpu.dma_semaphore, #tpu.memory_space<semaphore_mem>>)
    %dma_wait3A_512 = tpu.memref_slice %arg2[%mul3A_489] : memref<4194304xi32, #tpu.memory_space<hbm>> -> memref<8192xi32, #tpu.memory_space<hbm>>
    %dma_wait3A_513 = tpu.memref_slice %arg2[%mul3A_489] : memref<4194304xi32, #tpu.memory_space<hbm>> -> memref<8192xi32, #tpu.memory_space<hbm>>
    tpu.wait_dma2 semaphore(%arg12 : memref<!tpu.dma_semaphore, #tpu.memory_space<semaphore_mem>>) src(%dma_wait3A_513 : memref<8192xi32, #tpu.memory_space<hbm>>) dst(%arg10 : memref<8192xi32, #tpu.memory_space<vmem>>)
    %dma_wait3A_514 = tpu.memref_slice %arg3[%mul3A_489] : memref<4194304xf32, #tpu.memory_space<hbm>> -> memref<8192xf32, #tpu.memory_space<hbm>>
    %dma_wait3A_515 = tpu.memref_slice %arg3[%mul3A_489] : memref<4194304xf32, #tpu.memory_space<hbm>> -> memref<8192xf32, #tpu.memory_space<hbm>>
    tpu.wait_dma2 semaphore(%arg12 : memref<!tpu.dma_semaphore, #tpu.memory_space<semaphore_mem>>) src(%dma_wait3A_515 : memref<8192xf32, #tpu.memory_space<hbm>>) dst(%arg11 : memref<8192xf32, #tpu.memory_space<vmem>>)
    %dma_start3A_516 = arith.constant 0 : i32
    %dma_start3A_517 = tpu.memref_slice %arg19[%dma_start3A_516] : memref<1048576xf32, #tpu.memory_space<vmem_shared>> -> memref<1048576xf32, #tpu.memory_space<vmem_shared>>
    tpu.enqueue_indirect_dma source(%arg11 : memref<8192xf32, #tpu.memory_space<vmem>>) target(%dma_start3A_517 : memref<1048576xf32, #tpu.memory_space<vmem_shared>>) offsets(%arg10 : memref<8192xi32, #tpu.memory_space<vmem>>) semaphore(%arg13 : memref<!tpu.dma_semaphore, #tpu.memory_space<semaphore_mem>>) {add = true}
    %dma_wait3A_518 = arith.constant 0 : i32
    %dma_wait3A_519 = tpu.memref_slice %arg19[%dma_wait3A_518] : memref<1048576xf32, #tpu.memory_space<vmem_shared>> -> memref<1048576xf32, #tpu.memory_space<vmem_shared>>
    tpu.wait_indirect_dma semaphore(%arg9 : memref<!tpu.dma_semaphore, #tpu.memory_space<semaphore_mem>>) src(%arg7 : memref<8192xf32, #tpu.memory_space<vmem>>) dst(%dma_wait3A_519 : memref<1048576xf32, #tpu.memory_space<vmem_shared>>)
    %mul3A_520 = arith.constant 16 : i32
    %mul3A_521 = arith.muli %add3A, %mul3A_520 : i32
    %add3A_522 = arith.constant 15 : i32
    %add3A_523 = arith.addi %mul3A_521, %add3A_522 : i32
    %mul3A_524 = arith.constant 8192 : i32
    %mul3A_525 = arith.muli %add3A_523, %mul3A_524 : i32
    %dma_start3A_526 = tpu.memref_slice %arg2[%mul3A_525] : memref<4194304xi32, #tpu.memory_space<hbm>> -> memref<8192xi32, #tpu.memory_space<hbm>>
    %dma_start3A_527 = tpu.memref_slice %arg2[%mul3A_525] : memref<4194304xi32, #tpu.memory_space<hbm>> -> memref<8192xi32, #tpu.memory_space<hbm>>
    tpu.enqueue_dma source(%dma_start3A_527 : memref<8192xi32, #tpu.memory_space<hbm>>) target(%arg6 : memref<8192xi32, #tpu.memory_space<vmem>>) target_semaphore(%arg8 : memref<!tpu.dma_semaphore, #tpu.memory_space<semaphore_mem>>)
    %dma_start3A_528 = tpu.memref_slice %arg3[%mul3A_525] : memref<4194304xf32, #tpu.memory_space<hbm>> -> memref<8192xf32, #tpu.memory_space<hbm>>
    %dma_start3A_529 = tpu.memref_slice %arg3[%mul3A_525] : memref<4194304xf32, #tpu.memory_space<hbm>> -> memref<8192xf32, #tpu.memory_space<hbm>>
    tpu.enqueue_dma source(%dma_start3A_529 : memref<8192xf32, #tpu.memory_space<hbm>>) target(%arg7 : memref<8192xf32, #tpu.memory_space<vmem>>) target_semaphore(%arg8 : memref<!tpu.dma_semaphore, #tpu.memory_space<semaphore_mem>>)
    %dma_wait3A_530 = tpu.memref_slice %arg2[%mul3A_507] : memref<4194304xi32, #tpu.memory_space<hbm>> -> memref<8192xi32, #tpu.memory_space<hbm>>
    %dma_wait3A_531 = tpu.memref_slice %arg2[%mul3A_507] : memref<4194304xi32, #tpu.memory_space<hbm>> -> memref<8192xi32, #tpu.memory_space<hbm>>
    tpu.wait_dma2 semaphore(%arg16 : memref<!tpu.dma_semaphore, #tpu.memory_space<semaphore_mem>>) src(%dma_wait3A_531 : memref<8192xi32, #tpu.memory_space<hbm>>) dst(%arg14 : memref<8192xi32, #tpu.memory_space<vmem>>)
    %dma_wait3A_532 = tpu.memref_slice %arg3[%mul3A_507] : memref<4194304xf32, #tpu.memory_space<hbm>> -> memref<8192xf32, #tpu.memory_space<hbm>>
    %dma_wait3A_533 = tpu.memref_slice %arg3[%mul3A_507] : memref<4194304xf32, #tpu.memory_space<hbm>> -> memref<8192xf32, #tpu.memory_space<hbm>>
    tpu.wait_dma2 semaphore(%arg16 : memref<!tpu.dma_semaphore, #tpu.memory_space<semaphore_mem>>) src(%dma_wait3A_533 : memref<8192xf32, #tpu.memory_space<hbm>>) dst(%arg15 : memref<8192xf32, #tpu.memory_space<vmem>>)
    %dma_start3A_534 = arith.constant 0 : i32
    %dma_start3A_535 = tpu.memref_slice %arg19[%dma_start3A_534] : memref<1048576xf32, #tpu.memory_space<vmem_shared>> -> memref<1048576xf32, #tpu.memory_space<vmem_shared>>
    tpu.enqueue_indirect_dma source(%arg15 : memref<8192xf32, #tpu.memory_space<vmem>>) target(%dma_start3A_535 : memref<1048576xf32, #tpu.memory_space<vmem_shared>>) offsets(%arg14 : memref<8192xi32, #tpu.memory_space<vmem>>) semaphore(%arg17 : memref<!tpu.dma_semaphore, #tpu.memory_space<semaphore_mem>>) {add = true}
    %dma_wait3A_536 = tpu.memref_slice %arg2[%mul3A_525] : memref<4194304xi32, #tpu.memory_space<hbm>> -> memref<8192xi32, #tpu.memory_space<hbm>>
    %dma_wait3A_537 = tpu.memref_slice %arg2[%mul3A_525] : memref<4194304xi32, #tpu.memory_space<hbm>> -> memref<8192xi32, #tpu.memory_space<hbm>>
    tpu.wait_dma2 semaphore(%arg8 : memref<!tpu.dma_semaphore, #tpu.memory_space<semaphore_mem>>) src(%dma_wait3A_537 : memref<8192xi32, #tpu.memory_space<hbm>>) dst(%arg6 : memref<8192xi32, #tpu.memory_space<vmem>>)
    %dma_wait3A_538 = tpu.memref_slice %arg3[%mul3A_525] : memref<4194304xf32, #tpu.memory_space<hbm>> -> memref<8192xf32, #tpu.memory_space<hbm>>
    %dma_wait3A_539 = tpu.memref_slice %arg3[%mul3A_525] : memref<4194304xf32, #tpu.memory_space<hbm>> -> memref<8192xf32, #tpu.memory_space<hbm>>
    tpu.wait_dma2 semaphore(%arg8 : memref<!tpu.dma_semaphore, #tpu.memory_space<semaphore_mem>>) src(%dma_wait3A_539 : memref<8192xf32, #tpu.memory_space<hbm>>) dst(%arg7 : memref<8192xf32, #tpu.memory_space<vmem>>)
    %dma_start3A_540 = arith.constant 0 : i32
    %dma_start3A_541 = tpu.memref_slice %arg19[%dma_start3A_540] : memref<1048576xf32, #tpu.memory_space<vmem_shared>> -> memref<1048576xf32, #tpu.memory_space<vmem_shared>>
    tpu.enqueue_indirect_dma source(%arg7 : memref<8192xf32, #tpu.memory_space<vmem>>) target(%dma_start3A_541 : memref<1048576xf32, #tpu.memory_space<vmem_shared>>) offsets(%arg6 : memref<8192xi32, #tpu.memory_space<vmem>>) semaphore(%arg9 : memref<!tpu.dma_semaphore, #tpu.memory_space<semaphore_mem>>) {add = true}
    %dma_wait3A_542 = arith.constant 0 : i32
    %dma_wait3A_543 = tpu.memref_slice %arg19[%dma_wait3A_542] : memref<1048576xf32, #tpu.memory_space<vmem_shared>> -> memref<1048576xf32, #tpu.memory_space<vmem_shared>>
    tpu.wait_indirect_dma semaphore(%arg13 : memref<!tpu.dma_semaphore, #tpu.memory_space<semaphore_mem>>) src(%arg11 : memref<8192xf32, #tpu.memory_space<vmem>>) dst(%dma_wait3A_543 : memref<1048576xf32, #tpu.memory_space<vmem_shared>>)
    %dma_wait3A_544 = arith.constant 0 : i32
    %dma_wait3A_545 = tpu.memref_slice %arg19[%dma_wait3A_544] : memref<1048576xf32, #tpu.memory_space<vmem_shared>> -> memref<1048576xf32, #tpu.memory_space<vmem_shared>>
    tpu.wait_indirect_dma semaphore(%arg17 : memref<!tpu.dma_semaphore, #tpu.memory_space<semaphore_mem>>) src(%arg15 : memref<8192xf32, #tpu.memory_space<vmem>>) dst(%dma_wait3A_545 : memref<1048576xf32, #tpu.memory_space<vmem_shared>>)
    %dma_wait3A_546 = arith.constant 0 : i32
    %dma_wait3A_547 = tpu.memref_slice %arg19[%dma_wait3A_546] : memref<1048576xf32, #tpu.memory_space<vmem_shared>> -> memref<1048576xf32, #tpu.memory_space<vmem_shared>>
    tpu.wait_indirect_dma semaphore(%arg9 : memref<!tpu.dma_semaphore, #tpu.memory_space<semaphore_mem>>) src(%arg7 : memref<8192xf32, #tpu.memory_space<vmem>>) dst(%dma_wait3A_547 : memref<1048576xf32, #tpu.memory_space<vmem_shared>>)
    %barrier3A_548 = arith.constant 0 : index
    tpu.barrier barrier_id(%barrier3A_548)
    %eq3A = arith.constant 0 : i32
    %eq3A_549 = arith.cmpi eq, %arg0, %eq3A : i32
    %convert_element_type3A = arith.extui %eq3A_549 : i1 to i32
    %cond3A = arith.constant 0 : i32
    %cond3A_550 = arith.cmpi ne, %convert_element_type3A, %cond3A : i32
    scf.if %cond3A_550 {
      %mul3A_556 = arith.constant 65536 : i32
      %mul3A_557 = arith.muli %arg1, %mul3A_556 : i32
      %mul3A_558 = arith.constant 65536 : i32
      %mul3A_559 = arith.muli %arg1, %mul3A_558 : i32
      "tpu.region"() ({
        %run_scoped3A = tpu.sem_alloc : memref<!tpu.dma_semaphore, #tpu.memory_space<semaphore_mem>>
        %dma_start3A_560 = tpu.memref_slice %arg4[%mul3A_559] : memref<1048576xf32, #tpu.memory_space<hbm>> -> memref<65536xf32, #tpu.memory_space<hbm>>
        %dma_start3A_561 = tpu.memref_slice %arg19[%mul3A_557] : memref<1048576xf32, #tpu.memory_space<vmem_shared>> -> memref<65536xf32, #tpu.memory_space<vmem_shared>>
        tpu.enqueue_dma source(%dma_start3A_561 : memref<65536xf32, #tpu.memory_space<vmem_shared>>) target(%dma_start3A_560 : memref<65536xf32, #tpu.memory_space<hbm>>) target_semaphore(%run_scoped3A : memref<!tpu.dma_semaphore, #tpu.memory_space<semaphore_mem>>)
        %dma_wait3A_562 = tpu.memref_slice %arg4[%mul3A_559] : memref<1048576xf32, #tpu.memory_space<hbm>> -> memref<65536xf32, #tpu.memory_space<hbm>>
        %dma_wait3A_563 = tpu.memref_slice %arg19[%mul3A_557] : memref<1048576xf32, #tpu.memory_space<vmem_shared>> -> memref<65536xf32, #tpu.memory_space<vmem_shared>>
        tpu.wait_dma2 semaphore(%run_scoped3A : memref<!tpu.dma_semaphore, #tpu.memory_space<semaphore_mem>>) src(%dma_wait3A_563 : memref<65536xf32, #tpu.memory_space<vmem_shared>>) dst(%dma_wait3A_562 : memref<65536xf32, #tpu.memory_space<hbm>>)
        tpu.yield
      }) : () -> ()
    } else {
    }
    %eq3A_551 = arith.constant 1 : i32
    %eq3A_552 = arith.cmpi eq, %arg0, %eq3A_551 : i32
    %convert_element_type3A_553 = arith.extui %eq3A_552 : i1 to i32
    %cond3A_554 = arith.constant 0 : i32
    %cond3A_555 = arith.cmpi ne, %convert_element_type3A_553, %cond3A_554 : i32
    scf.if %cond3A_555 {
      %mul3A_556 = arith.constant 65536 : i32
      %mul3A_557 = arith.muli %arg1, %mul3A_556 : i32
      %mul3A_558 = arith.constant 65536 : i32
      %mul3A_559 = arith.muli %arg1, %mul3A_558 : i32
      "tpu.region"() ({
        %run_scoped3A = tpu.sem_alloc : memref<!tpu.dma_semaphore, #tpu.memory_space<semaphore_mem>>
        %dma_start3A_560 = tpu.memref_slice %arg5[%mul3A_559] : memref<1048576xf32, #tpu.memory_space<hbm>> -> memref<65536xf32, #tpu.memory_space<hbm>>
        %dma_start3A_561 = tpu.memref_slice %arg19[%mul3A_557] : memref<1048576xf32, #tpu.memory_space<vmem_shared>> -> memref<65536xf32, #tpu.memory_space<vmem_shared>>
        tpu.enqueue_dma source(%dma_start3A_561 : memref<65536xf32, #tpu.memory_space<vmem_shared>>) target(%dma_start3A_560 : memref<65536xf32, #tpu.memory_space<hbm>>) target_semaphore(%run_scoped3A : memref<!tpu.dma_semaphore, #tpu.memory_space<semaphore_mem>>)
        %dma_wait3A_562 = tpu.memref_slice %arg5[%mul3A_559] : memref<1048576xf32, #tpu.memory_space<hbm>> -> memref<65536xf32, #tpu.memory_space<hbm>>
        %dma_wait3A_563 = tpu.memref_slice %arg19[%mul3A_557] : memref<1048576xf32, #tpu.memory_space<vmem_shared>> -> memref<65536xf32, #tpu.memory_space<vmem_shared>>
        tpu.wait_dma2 semaphore(%run_scoped3A : memref<!tpu.dma_semaphore, #tpu.memory_space<semaphore_mem>>) src(%dma_wait3A_563 : memref<65536xf32, #tpu.memory_space<vmem_shared>>) dst(%dma_wait3A_562 : memref<65536xf32, #tpu.memory_space<hbm>>)
        tpu.yield
      }) : () -> ()
    } else {
    }
    return
  }
}

module attributes {stable_mosaic.version = 14 : i64} {
  func.func @body(%arg0: i32, %arg1: memref<524288xf32, #tpu.memory_space<vmem>>, %arg2: memref<524288xf32, #tpu.memory_space<vmem>>, %arg3: memref<524288xf32, #tpu.memory_space<vmem>>, %arg4: memref<524288xf32, #tpu.memory_space<vmem>>) attributes {dimension_semantics = [#tpu.dimension_semantics<arbitrary>], iteration_bounds = array<i64: 2>, scalar_prefetch = 0 : i64, scratch_operands = 0 : i64, tpu.core_type = #tpu.core_type<tc>, window_params = [{transform_indices = @transform_0, window_bounds = array<i64: 524288>}, {transform_indices = @transform_1, window_bounds = array<i64: 524288>}, {transform_indices = @transform_2, window_bounds = array<i64: 524288>}, {transform_indices = @transform_3, window_bounds = array<i64: 524288>}]} {
    %get3A = arith.constant 0 : index
    %get3A_0 = vector.load %arg1[%get3A] : memref<524288xf32, #tpu.memory_space<vmem>>, vector<524288xf32>
    %get3A_1 = arith.constant 0 : index
    %get3A_2 = vector.load %arg2[%get3A_1] : memref<524288xf32, #tpu.memory_space<vmem>>, vector<524288xf32>
    %add3A = arith.addf %get3A_0, %get3A_2 : vector<524288xf32>
    %get3A_3 = arith.constant 0 : index
    %get3A_4 = vector.load %arg3[%get3A_3] : memref<524288xf32, #tpu.memory_space<vmem>>, vector<524288xf32>
    %add3A_5 = arith.addf %add3A, %get3A_4 : vector<524288xf32>
    %swap3A = arith.constant 0 : index
    %swap3A_6 = vector.load %arg4[%swap3A] : memref<524288xf32, #tpu.memory_space<vmem>>, vector<524288xf32>
    tpu.vector_store %arg4[%swap3A], %add3A_5 {strides = array<i32>} : memref<524288xf32, #tpu.memory_space<vmem>>, vector<524288xf32>,
    return
  }
  func.func @transform_0(%arg0: i32) -> i32 {
    %c0_i32 = arith.constant 0 : i32
    return %arg0 : i32
  }
  func.func @transform_1(%arg0: i32) -> i32 {
    %c0_i32 = arith.constant 0 : i32
    return %arg0 : i32
  }
  func.func @transform_2(%arg0: i32) -> i32 {
    %c0_i32 = arith.constant 0 : i32
    return %arg0 : i32
  }
  func.func @transform_3(%arg0: i32) -> i32 {
    %c0_i32 = arith.constant 0 : i32
    return %arg0 : i32
  }
}

</mosaic_0001>

<sc_bundles>
// kernel: kernel.4.cloned.1.call-start
scs
__scs_entry_jumppad:
0x0: {  	(pc) =	sbr.rel $0x88, $3  }
0x1: {  	(tag) =	ssettag $0x0;
	lr =	simm.s32 $0x1  }
0x2: {  	[smem:$0x3F9E] =	sst lr;
	_ =	strace $0xD0000000  }
0x3: {  	_ = 	snop  }
0x4: {  	_ = 	snop  }
0x5: {  	_ = 	snop  }
0x6: {  	_ = 	snop  }
0x7: {  	_ = 	snop  }
__scs_overlays_trampoline_lowered:
0x8: {  	[smem:$0x3FAD] =	sst s0  }
0x9: {  	[smem:$0x3FAE] =	sst s1  }
0xa: {  	[smem:$0x3FAF] =	sst s2  }
0xb: {  	[smem:$0x3FB0] =	sst s3  }
0xc: {  	[smem:$0x3FB1] =	sst s4  }
0xd: {  	[smem:$0x3FB2] =	sst s5  }
0xe: {  	[smem:$0x3FB3] =	sst s6  }
0xf: {  	[smem:$0x3FB4] =	sst s7  }
0x10: {  	[smem:$0x3FB5] =	sst s8  }
0x11: {  	[smem:$0x3FB6] =	sst s9;
	s0 =	simm.s32 @!p0 $0x0  }
0x12: {  	s1 =	sld [smem:$0x3F9C];
	s0 =	simm.s32 @p0 $0x1  }
0x13: {  	[smem:$0x3FB7] =	sst s0;
	s0 =	simm.s32 @!p1 $0x0  }
0x14: {  	s2 =	sld [smem:$0x3F9B];
	s0 =	simm.s32 @p1 $0x1  }
0x15: {  	[smem:$0x3FB8] =	sst s0;
	s0 =	simm.s32 @!p2 $0x0  }
0x16: {  	s3 =	sld [smem:$0x3FDB];
	s0 =	simm.s32 @p2 $0x1  }
0x17: {  	s4 =	simm.s32 $0x1BF5;
	[smem:$0x3FBA] =	sst s0  }
0x18: {  	s0 =	sld [smem:$0x3F9D];
	_ =	swait.ge [sflag:s4], $0x0  }
0x19: {  	s7 =	sld [smem:$0x3F9E]  }
0x1a: {  	s8 =	sadd.s32 $0xFFFFE003, lr  }
0x1b: {  	s9 =	sadd.s32 $0xFFFFFEF7, lr;
	s5 =	simm.s32 $0xFFFFFFFF;
	p2 =	slt.u32 s8, $0xFFFFF086  }
0x1c: {  	p1 =	slt.u32 s9, $0xF7A;
	s5 =	simm.s32 @!p2 $0x0  }
0x1d: {  	s5 =	simm.s32 @p1 $0x1;
	p0 =	seq.s32 s7, s2  }
0x1e: {  	s7 =	smul.u32 @!p0 $0xF7A, s2;
	p2 =	seq.s32 @!p0 s5, $0x0  }
0x1f: {  	s9 =	smul.u32 $0xF7A, s1;
	s8 =	simm.s32 @!p0 $0x1BF5;
	p2 =	por !p2, p0  }
0x20: {  	[sflag:s8] =	ssyncset.s32 @!p0 $0xFFFFF086;
	s6 =	sadd.s32 @!p0 s3, s7;
	s7 =	simm.s32 @!p0 $0x108  }
0x21: {  	s3 =	sadd.s32 s3, s9;
	s6 =	sadd.s32 @!p0 $0x88, s6;
	s7 =	simm.s32 @p2 $0x1082  }
0x22: {  	[simem:s7], [sflag:s8] =	dma.local @!p0 [hbm:s6], $0xF7A  }
0x23: {  	s9 =	sor.u32 $0xD0000000, s2;
	s6 =	simm.s32 $0x108;
	_ =	swait.ge @!p0 [sflag:s8], $0x0  }
0x24: {  	s3 =	sadd.s32 $0x88, s3;
	s6 =	simm.s32 @!p1 $0x1082;
	[sflag:s4] =	ssyncset.s32 $0xFFFFF086  }
0x25: {  	[simem:s6], [sflag:s4] =	dma.local [hbm:s3], $0xF7A  }
0x26: {  	[smem:$0x3F9E] =	sst s1;
	(tag) =	ssettag s2;
	_ =	strace s9  }
0x27: {  	s1 =	sld [smem:$0x3FAE]  }
0x28: {  	s2 =	sld [smem:$0x3FAF]  }
0x29: {  	s4 =	sld [smem:$0x3FB1]  }
0x2a: {  	p0 =	seq.s32 s5, $0x0;
	s5 =	sld [smem:$0x3FB2]  }
0x2b: {  	s6 =	sld [smem:$0x3FB3]  }
0x2c: {  	s7 =	sld [smem:$0x3FB4]  }
0x2d: {  	s3 =	simm.s32 $0x108;
	s8 =	sld [smem:$0x3FB5]  }
0x2e: {  	s3 =	simm.s32 @!p0 $0x1082;
	s9 =	sld [smem:$0x3FB6]  }
0x2f: {  	lr =	sadd.s32 s0, s3;
	s0 =	sld [smem:$0x3FAD]  }
0x30: {  	s3 =	sld [smem:$0x3FB0]  }
0x31: {  	[smem:$0x3FB9] =	sst s10  }
0x32: {  	s10 =	sld [smem:$0x3FB7];
	_ =	sdelay $0x3  }
0x33: {  	p0 =	seq.s32 s10, $0x1;
	s10 =	sld [smem:$0x3FB9];
	_ =	sdelay $0x3  }
0x34: {  	[smem:$0x3FB9] =	sst s10  }
0x35: {  	s10 =	sld [smem:$0x3FB8];
	_ =	sdelay $0x3  }
0x36: {  	p1 =	seq.s32 s10, $0x1;
	s10 =	sld [smem:$0x3FB9];
	_ =	sdelay $0x3  }
0x37: {  	[smem:$0x3FB9] =	sst s10  }
0x38: {  	s10 =	sld [smem:$0x3FBA]  }
0x39: {  	_ = 	snop;
	(pc) =	sbr.ind lr, $3  }
0x3a: {  	_ = 	snop  }
0x3b: {  	_ = 	snop  }
0x3c: {  	p2 =	seq.s32 s10, $0x1;
	s10 =	sld [smem:$0x3FB9]  }
0x3d: {  	_ =	shalt  }
0x3e: {  	_ =	shalt  }
0x3f: {  	_ =	shalt  }
0x40: {  	_ =	shalt  }
0x41: {  	_ =	shalt  }
0x42: {  	_ =	shalt  }
0x43: {  	_ =	shalt  }
0x44: {  	_ =	shalt  }
0x45: {  	_ =	shalt  }
0x46: {  	_ =	shalt  }
0x47: {  	_ =	shalt  }
0x48: {  	_ =	shalt  }
0x49: {  	_ =	shalt  }
0x4a: {  	_ =	shalt  }
0x4b: {  	_ =	shalt  }
0x4c: {  	_ =	shalt  }
0x4d: {  	_ =	shalt  }
0x4e: {  	_ =	shalt  }
0x4f: {  	_ =	shalt  }
0x50: {  	_ =	shalt  }
0x51: {  	_ =	shalt  }
0x52: {  	_ =	shalt  }
0x53: {  	_ =	shalt  }
0x54: {  	_ =	shalt  }
0x55: {  	_ =	shalt  }
0x56: {  	_ =	shalt  }
0x57: {  	_ =	shalt  }
0x58: {  	_ =	shalt  }
0x59: {  	_ =	shalt  }
0x5a: {  	_ =	shalt  }
0x5b: {  	_ =	shalt  }
0x5c: {  	_ =	shalt  }
0x5d: {  	_ =	shalt  }
0x5e: {  	_ =	shalt  }
0x5f: {  	_ =	shalt  }
0x60: {  	_ =	shalt  }
0x61: {  	_ =	shalt  }
0x62: {  	_ =	shalt  }
0x63: {  	_ =	shalt  }
0x64: {  	_ =	shalt  }
0x65: {  	_ =	shalt  }
0x66: {  	_ =	shalt  }
0x67: {  	_ =	shalt  }
0x68: {  	_ =	shalt  }
0x69: {  	_ =	shalt  }
0x6a: {  	_ =	shalt  }
0x6b: {  	_ =	shalt  }
0x6c: {  	_ =	shalt  }
0x6d: {  	_ =	shalt  }
0x6e: {  	_ =	shalt  }
0x6f: {  	_ =	shalt  }
0x70: {  	_ =	shalt  }
0x71: {  	_ =	shalt  }
0x72: {  	_ =	shalt  }
0x73: {  	_ =	shalt  }
0x74: {  	_ =	shalt  }
0x75: {  	_ =	shalt  }
0x76: {  	_ =	shalt  }
0x77: {  	_ =	shalt  }
0x78: {  	_ =	shalt  }
0x79: {  	_ =	shalt  }
0x7a: {  	_ =	shalt  }
0x7b: {  	_ =	shalt  }
0x7c: {  	_ =	shalt  }
0x7d: {  	_ =	shalt  }
0x7e: {  	_ =	shalt  }
0x7f: {  	_ =	shalt  }
0x80: {  	_ =	shalt  }
0x81: {  	_ =	shalt  }
0x82: {  	_ =	shalt  }
0x83: {  	_ =	shalt  }
0x84: {  	_ =	shalt  }
0x85: {  	_ =	shalt  }
0x86: {  	_ =	shalt  }
0x87: {  	_ =	shalt  }
.Lfunc_end0:
.L_simem_size_0:
called_computation_lowered:
.L_overlay_start_0:
0x88: {  	s2 =	sld [smem:$0x3FD9]  }
0x89: {  	s3 =	sld [smem:$0x3FFE];
	_ =	sdelay $0x1  }
0x8a: {  	s1 =	srdreg.scid  }
0x8b: {  	s0 =	sand.u32 $0x1, s1  }
0x8c: {  	s17 =	sshll.u32 s0, $0xA;
	s2 =	sadd.s32 s3, s2  }
0x8d: {  	s2 =	sadd.s32 s2, s17  }
0x8e: {  	[smem:$0x3FC5] =	sst s2  }
0x8f: {  	_ = 	snop  }
0x90: {  	s2 =	sld [smem:$0x3FC8]  }
0x91: {  	s18 =	sld [smem:$0x3FC7];
	(tm) =	ssettm $0x1  }
0x92: {  	s4 =	sld [smem:$0x3FFB];
	_ =	sdelay $0x3  }
0x93: {  	_ =	strace s4  }
0x94: {  	s4 =	sld [smem:$0x3FFC];
	_ =	sdelay $0x3  }
0x95: {  	_ =	strace s4  }
0x96: {  	s4 =	sld [smem:$0x3FFD];
	_ =	sdelay $0x3  }
0x97: {  	_ =	strace s4  }
0x98: {  	_ =	strace $0x8FFFFFFF  }
0x99: {  	s19 =	sld [smem:$0x3FDB];
	_ =	sdelay $0x1  }
0x9a: {  	s5 =	simm.s32 $_scs_section_size  }
0x9b: {  	s6 =	simm.s32 $_size__tile_overlayer_lowered;
	s7 =	simm.s32 $_tile_overlayer_lowered  }
0x9c: {  	s22 =	simm.s32 $0x1BFF;
	s21 =	sshll.u32 s7, $0x1;
	s4 =	sadd.s32 s5, s19  }
0x9d: {  	s8 =	simm.s32 $0x0;
	s20 =	sshll.u32 s6, $0x1;
	s6 =	sadd.s32 s21, s4  }
0x9e: {  	[timem:s8], [sflag:s22] =	dma.local [hbm:s6], s20  }
0x9f: {  	_ =	swait.ge [sflag:s22], s20  }
0xa0: {  	s5 =	ssub.s32 $0x0, s20;
	[sflag:s22] =	ssyncset.done $0x0  }
0xa1: {  	[sflag:s22] =	ssyncadd.s32 s5;
	_ =	sdelay $0x1  }
0xa2: {  	s23 =	simm.s32 $0x1B8B  }
0xa3: {  	_ =	swait.ge [sflag:s23], $0x1  }
0xa4: {  	[sflag:s23] =	ssyncset.done $0x0  }
0xa5: {  	s25 =	simm.s32 $0x1B8E;
	s24 =	sld [smem:$0x3FFE];
	[sflag:s23] =	ssyncadd.s32 $0xFFFFFFFF  }
0xa6: {  	s26 =	simm.s32 $execute0_lowered;
	[smem:$0x3FD2] =	sst s25  }
0xa7: {  	s6 =	sshll.u32 s26, $0x1;
	_ =	strace $0x80000046;
	[dreg:$0x1] =	wrdreg $0xFFFFFFFF  }
0xa8: {  	s28 =	simm.s32 $_size_execute0_lowered;
	s4 =	sadd.s32 s4, s6;
	[dreg:$0x0] =	wrdreg $0x0  }
0xa9: {  	s6 =	sshll.u32 s28, $0x1;
	[dreg:$0x2] =	wrdreg s4  }
0xaa: {  	[dreg:$0x3] =	wrdreg s6  }
0xab: {  	[dreg:$0x4] =	wrdreg $0xC0  }
0xac: {  	_ =	task [dreg:s8], $0x5FFFF  }
0xad: {  	[dreg:$0x1] =	wrdreg $0xFFFFFFFF  }
0xae: {  	[dreg:$0x0] =	wrdreg $0x60  }
0xaf: {  	[dreg:$0x2] =	wrdreg s2  }
0xb0: {  	[dreg:$0x3] =	wrdreg s18  }
0xb1: {  	[dreg:$0x4] =	wrdreg s24  }
0xb2: {  	[dreg:$0x5] =	wrdreg $0xC8000  }
0xb3: {  	[dreg:$0x6] =	wrdreg $0x9  }
0xb4: {  	_ =	task.clear_ibuf [dreg:s8], $0x7FFFF;
	_ =	strace $0x90000046  }
0xb5: {  	s29 =	simm.s32 $0x9;
	_ =	strace $0x80000048  }
0xb6: {  	_ =	swait.ge [sflag:s29], $0x1  }
0xb7: {  	[sflag:s29] =	ssyncadd.s32 $0xFFFFFFFF  }
0xb8: {  	_ =	strace $0x90000048  }
0xb9: {  	_ =	sfence  }
0xba: {  	s30 =	sld [smem:$0x0];
	_ =	sdelay $0x2  }
0xbb: {  	s31 =	sshll.u32 s1, $0xD;
	s1 =	sshrl.u32 s1, $0x2  }
0xbc: {  	s3 =	sand.u32 $0x4000, s31;
	s1 =	sadd.s32 s1, s30  }
0xbd: {  	s0 =	sor.u32 s3, s0;
	s1 =	sshll.u32 s1, $0x11  }
0xbe: {  	s0 =	sor.u32 s1, s0  }
0xbf: {  	s0 =	sadd.s32 $0x8F2B, s0  }
0xc0: {  	[sflag:s0] =	ssyncadd.remote.s32 $0x1  }
0xc1: {  	_ =	sfence.sel $0xFFFF  }
0xc2: {  	[dreg:$0x0] =	wrdreg $0xFFFFFFFF;
	(pc) =	sbr.abs _section_cstart, $3  }
0xc3: {  	[dreg:$0x1] =	wrdreg $0xFFFFFFFF  }
0xc4: {  	_ =	task.clear_ibuf [dreg:s8], $0x2FFFF;
	_ =	strace $0x9FFFFFFF  }
0xc5: {  	(tm) =	ssettm $0x7FFFFFFF  }
tec
execute0_lowered:
.L_overlay_start_1:
0x0: {  	(tag) =	ssettag $0x1  }
0x1: {  	s0 =	srdreg.scid  }
0x2: {  	s7 =	stileid.u32;
	s0 =	sand.u32 $0x1, s0  }
0x3: {  	s2 =	sshll.u32 s7, $0xE;
	s1 =	sshll.u32 s0, $0x12  }
0x4: {  	s1 =	sor.u32 s2, s1  }
0x5: {  	s3 =	rddreg [dreg:$0x0];
	s4 =	ssub.s32 $0x2, s0;
	s6 =	sor.u32 $0x400, s1  }
0x6: {  	s2 =	rddreg [dreg:$0x1];
	s5 =	sshrl.u32 s4, $0x1;
	s11 =	sadd.s32 s3, s6  }
0x7: {  	s12 =	sor.u32 $0x800, s1;
	s6 =	sadd.s32 s2, s6;
	[dreg:$0x5] =	wrdreg s11  }
0x8: {  	s4 =	ssub.s32 s4, s5;
	s13 =	sadd.s32 s3, s12;
	[dreg:$0x6] =	wrdreg s6  }
0x9: {  	s14 =	sor.u32 $0xC00, s1;
	s5 =	sadd.s32 s2, s12;
	[dreg:$0x7] =	wrdreg s13  }
0xa: {  	s16 =	sor.u32 $0x1000, s1;
	s15 =	sadd.s32 s3, s14;
	[dreg:$0x8] =	wrdreg s5  }
0xb: {  	s18 =	sor.u32 $0x1400, s1;
	s17 =	sadd.s32 s3, s16;
	[dreg:$0x9] =	wrdreg s15  }
0xc: {  	s20 =	sor.u32 $0x1800, s1;
	s19 =	sadd.s32 s3, s18;
	[dreg:$0xb] =	wrdreg s17  }
0xd: {  	s22 =	sor.u32 $0x1C00, s1;
	s21 =	sadd.s32 s3, s20;
	[dreg:$0xd] =	wrdreg s19  }
0xe: {  	s24 =	sor.u32 $0x2000, s1;
	s23 =	sadd.s32 s3, s22;
	[dreg:$0xf] =	wrdreg s21  }
0xf: {  	s26 =	sor.u32 $0x2400, s1;
	s25 =	sadd.s32 s3, s24;
	[dreg:$0x11] =	wrdreg s23  }
0x10: {  	s8 =	sor.u32 $0x2800, s1;
	s28 =	sadd.s32 s3, s26;
	[dreg:$0x13] =	wrdreg s25  }
0x11: {  	s9 =	sor.u32 $0x2C00, s1;
	s10 =	sadd.s32 s3, s8;
	[dreg:$0x15] =	wrdreg s28  }
0x12: {  	s12 =	sadd.s32 s3, s9;
	[dreg:$0x17] =	wrdreg s10  }
0x13: {  	[dreg:$0x19] =	wrdreg s12  }
0x14: {  	s6 =	sadd.s32 s2, s14;
	s25 =	rddreg [dreg:$0x2]  }
0x15: {  	s5 =	sadd.s32 s2, s16;
	[dreg:$0xa] =	wrdreg s6  }
0x16: {  	s11 =	sadd.s32 s2, s8;
	[dreg:$0xc] =	wrdreg s5  }
0x17: {  	s13 =	sadd.s32 s2, s9;
	[dreg:$0x18] =	wrdreg s11  }
0x18: {  	s19 =	sadd.s32 s3, s1;
	[dreg:$0x1a] =	wrdreg s13  }
0x19: {  	s21 =	sadd.s32 s2, s1;
	[dreg:$0x1f] =	wrdreg s19  }
0x1a: {  	s6 =	sadd.s32 s2, s18;
	[smem:$0x7E2] =	sst s21  }
0x1b: {  	s14 =	sor.u32 $0x3000, s1;
	s5 =	sadd.s32 s2, s20;
	[dreg:$0xe] =	wrdreg s6  }
0x1c: {  	p0 =	seq.s32 s0, $0x1;
	s16 =	sadd.s32 s3, s14;
	[dreg:$0x10] =	wrdreg s5  }
0x1d: {  	s15 =	sor.u32 $0x3400, s1;
	s0 =	sadd.s32 s2, s14;
	[dreg:$0x1b] =	wrdreg s16  }
0x1e: {  	s17 =	sadd.s32 s3, s15;
	[dreg:$0x1c] =	wrdreg s0  }
0x1f: {  	s18 =	sadd.s32 s2, s15;
	[dreg:$0x1d] =	wrdreg s17  }
0x20: {  	s6 =	sadd.s32 s2, s22;
	[dreg:$0x1e] =	wrdreg s18  }
0x21: {  	s20 =	sor.u32 $0x3800, s1;
	s5 =	sadd.s32 s2, s24;
	[dreg:$0x12] =	wrdreg s6  }
0x22: {  	s23 =	sadd.s32 s3, s20;
	[dreg:$0x14] =	wrdreg s5  }
0x23: {  	s0 =	sadd.s32 s2, s20;
	[smem:$0x7E3] =	sst s23  }
0x24: {  	s22 =	sor.u32 $0x3C00, s1;
	s1 =	simm.s32 $0x0;
	[smem:$0x7E4] =	sst s0  }
0x25: {  	s6 =	sadd.s32 s2, s26;
	[smem:$0x7FF] =	sst s1  }
0x26: {  	s24 =	sadd.s32 s3, s22;
	s0 =	simm.s32 $0x20E00;
	s3 =	rddreg [dreg:$0x3]  }
0x27: {  	s28 =	sshll.u32 s7, $0xD;
	[dreg:$0x16] =	wrdreg s6;
	s0 =	simm.s32 @!p0 $0xE00  }
0x28: {  	s2 =	sadd.s32 s2, s22;
	[smem:$0x7E5] =	sst s24;
	s0 =	sadd.s32 s0, s25  }
0x29: {  	s26 =	sshll.u32 s7, $0x10;
	[smem:$0x7E6] =	sst s2;
	s0 =	sadd.s32 s0, s28  }
0x2a: {  	s5 =	sadd.s32 s26, s3;
	s6 =	smax.u32 s4, $0x1;
	[smem:$0x7E7] =	sst s0  }
0x2b: {  	s7 =	sadd.s32 $0x800, s5;
	_ =	strace $0x80000047;
	[smem:$0x7E8] =	sst s6  }
0x2c: {  	s8 =	sadd.s32 $0x1000, s5;
	[smem:$0x7E9] =	sst s7  }
0x2d: {  	s9 =	sadd.s32 $0x1800, s5;
	[smem:$0x7EA] =	sst s8  }
0x2e: {  	s10 =	sadd.s32 $0x2000, s5;
	[smem:$0x7EB] =	sst s9  }
0x2f: {  	s11 =	sadd.s32 $0x2800, s5;
	[smem:$0x7EC] =	sst s10  }
0x30: {  	s12 =	sadd.s32 $0x3000, s5;
	[smem:$0x7ED] =	sst s11  }
0x31: {  	s13 =	sadd.s32 $0x3800, s5;
	[smem:$0x7EE] =	sst s12  }
0x32: {  	s14 =	sadd.s32 $0x4000, s5;
	[smem:$0x7EF] =	sst s13  }
0x33: {  	s15 =	sadd.s32 $0x4800, s5;
	[smem:$0x7F0] =	sst s14  }
0x34: {  	s16 =	sadd.s32 $0x5000, s5;
	[smem:$0x7F1] =	sst s15  }
0x35: {  	s17 =	sadd.s32 $0x5800, s5;
	[smem:$0x7F2] =	sst s16  }
0x36: {  	s18 =	sadd.s32 $0x6000, s5;
	[smem:$0x7F3] =	sst s17  }
0x37: {  	s19 =	sadd.s32 $0x6800, s5;
	[smem:$0x7F4] =	sst s18  }
0x38: {  	s20 =	sadd.s32 $0x7000, s5;
	[smem:$0x7F5] =	sst s19  }
0x39: {  	s21 =	sadd.s32 $0x7800, s5;
	[smem:$0x7F6] =	sst s20  }
0x3a: {  	s22 =	sadd.s32 $0x8000, s5;
	[smem:$0x7F7] =	sst s21  }
0x3b: {  	s23 =	sadd.s32 $0x8800, s5;
	s24 =	sadd.s32 $0x9000, s5;
	[smem:$0x7F8] =	sst s22  }
0x3c: {  	s25 =	sadd.s32 $0x9800, s5;
	s26 =	sadd.s32 $0xA000, s5;
	[smem:$0x7F9] =	sst s23  }
0x3d: {  	s29 =	sadd.s32 $0xB000, s5;
	s30 =	sadd.s32 $0xB800, s5;
	[smem:$0x7FA] =	sst s24  }
0x3e: {  	s31 =	sadd.s32 $0xC000, s5;
	s2 =	sadd.s32 $0xD000, s5;
	[smem:$0x7FB] =	sst s25  }
0x3f: {  	s4 =	sadd.s32 $0xD800, s5;
	s28 =	sadd.s32 $0xA800, s5;
	[smem:$0x7FC] =	sst s26  }
0x40: {  	s0 =	sadd.s32 $0xC800, s5;
	[smem:$0x7FD] =	sst s28;
	s6 =	sadd.s32 $0xE000, s5  }
0x41: {  	s7 =	sadd.s32 $0xE800, s5;
	s8 =	sadd.s32 $0xF000, s5;
	s9 =	sadd.s32 $0xF800, s5  }
0x42: {  	s10 =	simm.s32 $0x2000;
	s11 =	simm.s32 $0x4000;
	s12 =	simm.s32 $0x6000  }
0x43: {  	s13 =	simm.s32 $0xC000;
	s14 =	simm.s32 $0x7;
	s15 =	simm.s32 $0x1  }
0x44: {  	s16 =	simm.s32 $0x8000;
	s17 =	simm.s32 $0xA000;
	s18 =	simm.s32 $0x3  }
0x45: {  	s19 =	simm.s32 $0x2;
	s20 =	simm.s32 $0x5;
	s21 =	simm.s32 $0x4  }
0x46: {  	v0 =	vimm.f32 $0.0e+00;
	s22 =	simm.s32 $0x6;
	s23 =	simm.s32 $0x8;
	s24 =	simm.s32 $0x0  }
.LBB2_1:
0x47: {  	s25 =	rddreg [dreg:$0x1f]  }
0x48: {  	s28 =	sld [smem:$0x7E2]  }
0x49: {  	[tilespmem:s1], [sflag:$0x1] =	stream.linear.gather [hbm4b:s25+s1], $0x2000, $0x38;
	[tilespmem:$0x1C800] =	vst v63  }
0x4a: {  	_ = 	snop  }
0x4b: {  	[tilespmem:s10], [sflag:$0x1] =	stream.linear.gather [hbm4b:s28+s1], $0x2000, $0x38;
	[tilespmem:$0x1C800] =	vst v63  }
0x4c: {  	s26 =	rddreg [dreg:$0x5]  }
0x4d: {  	[tilespmem:s11], [sflag:$0x3] =	stream.linear.gather [hbm4b:s26+s1], $0x2000, $0x38;
	[tilespmem:$0x1C800] =	vst v63  }
0x4e: {  	s25 =	simm.s32 $0x40;
	s28 =	rddreg [dreg:$0x6];
	s26 =	simm.s32 $0x0  }
0x4f: {  	[tilespmem:s12], [sflag:$0x3] =	stream.linear.gather [hbm4b:s28+s1], $0x2000, $0x38;
	[tilespmem:$0x1C800] =	vst v63  }
.LBB2_2:
0x50: {  	p0 =	sne.s32 s25, $0x1FC0;
	[tilespmem:s26+$0xC000] =	vst v0;
	s26 =	smov.u32 s25;
	s25 =	sadd.s32 $0x40, s25  }
.Ltmp0:
0x51: {  	(pc) =	sbr.rel @p0 .LBB2_2-.Ltmp0, $2  }
0x52: {  	_ =	sdelay $0x2  }
0x53: {  	s26 =	sshra.s32 s26, $0x2  }
0x54: {  	[tilespmem:s26+$0xC000] =	vst v0;
	s25 =	sld [smem:$0x7E9]  }
0x55: {  	[spmem:s5] =	stream.linear.scatter [tilespmem:s13], [sflag:$0x7], $0x800, $0x38;
	[tilespmem:$0x1C800] =	vst v63  }
0x56: {  	s26 =	sld [smem:$0x7EA]  }
0x57: {  	[spmem:s25] =	stream.linear.scatter [tilespmem:s13], [sflag:$0x7], $0x800, $0x38;
	[tilespmem:$0x1C800] =	vst v63  }
0x58: {  	s28 =	sld [smem:$0x7EB]  }
0x59: {  	[spmem:s26] =	stream.linear.scatter [tilespmem:s13], [sflag:$0x7], $0x800, $0x38;
	[tilespmem:$0x1C800] =	vst v63  }
0x5a: {  	s26 =	sld [smem:$0x7EC]  }
0x5b: {  	[spmem:s28] =	stream.linear.scatter [tilespmem:s13], [sflag:$0x7], $0x800, $0x38;
	[tilespmem:$0x1C800] =	vst v63  }
0x5c: {  	s28 =	sld [smem:$0x7ED]  }
0x5d: {  	[spmem:s26] =	stream.linear.scatter [tilespmem:s13], [sflag:$0x7], $0x800, $0x38;
	[tilespmem:$0x1C800] =	vst v63  }
0x5e: {  	s26 =	sld [smem:$0x7EE]  }
0x5f: {  	[spmem:s28] =	stream.linear.scatter [tilespmem:s13], [sflag:$0x7], $0x800, $0x38;
	[tilespmem:$0x1C800] =	vst v63  }
0x60: {  	s28 =	sld [smem:$0x7EF]  }
0x61: {  	[spmem:s26] =	stream.linear.scatter [tilespmem:s13], [sflag:$0x7], $0x800, $0x38;
	[tilespmem:$0x1C800] =	vst v63  }
0x62: {  	s26 =	sld [smem:$0x7F0]  }
0x63: {  	[spmem:s28] =	stream.linear.scatter [tilespmem:s13], [sflag:$0x7], $0x800, $0x38;
	[tilespmem:$0x1C800] =	vst v63  }
0x64: {  	s28 =	sld [smem:$0x7F1]  }
0x65: {  	[spmem:s26] =	stream.linear.scatter [tilespmem:s13], [sflag:$0x7], $0x800, $0x38;
	[tilespmem:$0x1C800] =	vst v63  }
0x66: {  	s26 =	sld [smem:$0x7F2]  }
0x67: {  	[spmem:s28] =	stream.linear.scatter [tilespmem:s13], [sflag:$0x7], $0x800, $0x38;
	[tilespmem:$0x1C800] =	vst v63  }
0x68: {  	s28 =	sld [smem:$0x7F3]  }
0x69: {  	[spmem:s26] =	stream.linear.scatter [tilespmem:s13], [sflag:$0x7], $0x800, $0x38;
	[tilespmem:$0x1C800] =	vst v63  }
0x6a: {  	s26 =	sld [smem:$0x7F4]  }
0x6b: {  	[spmem:s28] =	stream.linear.scatter [tilespmem:s13], [sflag:$0x7], $0x800, $0x38;
	[tilespmem:$0x1C800] =	vst v63  }
0x6c: {  	s28 =	sld [smem:$0x7F5]  }
0x6d: {  	[spmem:s26] =	stream.linear.scatter [tilespmem:s13], [sflag:$0x7], $0x800, $0x38;
	[tilespmem:$0x1C800] =	vst v63  }
0x6e: {  	s26 =	sld [smem:$0x7F6]  }
0x6f: {  	[spmem:s28] =	stream.linear.scatter [tilespmem:s13], [sflag:$0x7], $0x800, $0x38;
	[tilespmem:$0x1C800] =	vst v63  }
0x70: {  	s28 =	sld [smem:$0x7F7]  }
0x71: {  	[spmem:s26] =	stream.linear.scatter [tilespmem:s13], [sflag:$0x7], $0x800, $0x38;
	[tilespmem:$0x1C800] =	vst v63  }
0x72: {  	s26 =	sld [smem:$0x7F8]  }
0x73: {  	[spmem:s28] =	stream.linear.scatter [tilespmem:s13], [sflag:$0x7], $0x800, $0x38;
	[tilespmem:$0x1C800] =	vst v63  }
0x74: {  	s28 =	sld [smem:$0x7F9]  }
0x75: {  	[spmem:s26] =	stream.linear.scatter [tilespmem:s13], [sflag:$0x7], $0x800, $0x38;
	[tilespmem:$0x1C800] =	vst v63  }
0x76: {  	s26 =	sld [smem:$0x7FA]  }
0x77: {  	[spmem:s28] =	stream.linear.scatter [tilespmem:s13], [sflag:$0x7], $0x800, $0x38;
	[tilespmem:$0x1C800] =	vst v63  }
0x78: {  	s28 =	sld [smem:$0x7FB]  }
0x79: {  	[spmem:s26] =	stream.linear.scatter [tilespmem:s13], [sflag:$0x7], $0x800, $0x38;
	[tilespmem:$0x1C800] =	vst v63  }
0x7a: {  	s26 =	sld [smem:$0x7FC]  }
0x7b: {  	[spmem:s28] =	stream.linear.scatter [tilespmem:s13], [sflag:$0x7], $0x800, $0x38;
	[tilespmem:$0x1C800] =	vst v63  }
0x7c: {  	s28 =	sld [smem:$0x7FD]  }
0x7d: {  	[spmem:s26] =	stream.linear.scatter [tilespmem:s13], [sflag:$0x7], $0x800, $0x38;
	[tilespmem:$0x1C800] =	vst v63  }
0x7e: {  	_ = 	snop  }
0x7f: {  	[spmem:s28] =	stream.linear.scatter [tilespmem:s13], [sflag:$0x7], $0x800, $0x38;
	[tilespmem:$0x1C800] =	vst v63  }
0x80: {  	_ = 	snop  }
0x81: {  	[spmem:s29] =	stream.linear.scatter [tilespmem:s13], [sflag:$0x7], $0x800, $0x38;
	[tilespmem:$0x1C800] =	vst v63  }
0x82: {  	_ = 	snop  }
0x83: {  	[spmem:s30] =	stream.linear.scatter [tilespmem:s13], [sflag:$0x7], $0x800, $0x38;
	[tilespmem:$0x1C800] =	vst v63  }
0x84: {  	_ = 	snop  }
0x85: {  	[spmem:s31] =	stream.linear.scatter [tilespmem:s13], [sflag:$0x7], $0x800, $0x38;
	[tilespmem:$0x1C800] =	vst v63  }
0x86: {  	_ = 	snop  }
0x87: {  	[spmem:s0] =	stream.linear.scatter [tilespmem:s13], [sflag:$0x7], $0x800, $0x38;
	[tilespmem:$0x1C800] =	vst v63  }
0x88: {  	_ = 	snop  }
0x89: {  	[spmem:s2] =	stream.linear.scatter [tilespmem:s13], [sflag:$0x7], $0x800, $0x38;
	[tilespmem:$0x1C800] =	vst v63  }
0x8a: {  	_ = 	snop  }
0x8b: {  	[spmem:s4] =	stream.linear.scatter [tilespmem:s13], [sflag:$0x7], $0x800, $0x38;
	[tilespmem:$0x1C800] =	vst v63  }
0x8c: {  	_ = 	snop  }
0x8d: {  	[spmem:s6] =	stream.linear.scatter [tilespmem:s13], [sflag:$0x7], $0x800, $0x38;
	[tilespmem:$0x1C800] =	vst v63  }
0x8e: {  	_ = 	snop  }
0x8f: {  	[spmem:s7] =	stream.linear.scatter [tilespmem:s13], [sflag:$0x7], $0x800, $0x38;
	[tilespmem:$0x1C800] =	vst v63  }
0x90: {  	_ = 	snop  }
0x91: {  	[spmem:s8] =	stream.linear.scatter [tilespmem:s13], [sflag:$0x7], $0x800, $0x38;
	[tilespmem:$0x1C800] =	vst v63  }
0x92: {  	_ = 	snop  }
0x93: {  	[spmem:s9] =	stream.linear.scatter [tilespmem:s13], [sflag:$0x7], $0x800, $0x38;
	[tilespmem:$0x1C800] =	vst v63  }
0x94: {  	_ =	swait.ge [sflag:s14], $0x800  }
0x95: {  	[sflag:s14] =	ssyncset.done $0x0  }
0x96: {  	[sflag:s14] =	ssyncadd.s32 $0xFFFFF800  }
0x97: {  	_ =	swait.ge [sflag:s14], $0x800  }
0x98: {  	[sflag:s14] =	ssyncset.done $0x0  }
0x99: {  	[sflag:s14] =	ssyncadd.s32 $0xFFFFF800  }
0x9a: {  	_ =	swait.ge [sflag:s14], $0x800  }
0x9b: {  	[sflag:s14] =	ssyncset.done $0x0  }
0x9c: {  	[sflag:s14] =	ssyncadd.s32 $0xFFFFF800  }
0x9d: {  	_ =	swait.ge [sflag:s14], $0x800  }
0x9e: {  	[sflag:s14] =	ssyncset.done $0x0  }
0x9f: {  	[sflag:s14] =	ssyncadd.s32 $0xFFFFF800  }
0xa0: {  	_ =	swait.ge [sflag:s14], $0x800  }
0xa1: {  	[sflag:s14] =	ssyncset.done $0x0  }
0xa2: {  	[sflag:s14] =	ssyncadd.s32 $0xFFFFF800  }
0xa3: {  	_ =	swait.ge [sflag:s14], $0x800  }
0xa4: {  	[sflag:s14] =	ssyncset.done $0x0  }
0xa5: {  	[sflag:s14] =	ssyncadd.s32 $0xFFFFF800  }
0xa6: {  	_ =	swait.ge [sflag:s14], $0x800  }
0xa7: {  	[sflag:s14] =	ssyncset.done $0x0  }
0xa8: {  	[sflag:s14] =	ssyncadd.s32 $0xFFFFF800  }
0xa9: {  	_ =	swait.ge [sflag:s14], $0x800  }
0xaa: {  	[sflag:s14] =	ssyncset.done $0x0  }
0xab: {  	[sflag:s14] =	ssyncadd.s32 $0xFFFFF800  }
0xac: {  	_ =	swait.ge [sflag:s14], $0x800  }
0xad: {  	[sflag:s14] =	ssyncset.done $0x0  }
0xae: {  	[sflag:s14] =	ssyncadd.s32 $0xFFFFF800  }
0xaf: {  	_ =	swait.ge [sflag:s14], $0x800  }
0xb0: {  	[sflag:s14] =	ssyncset.done $0x0  }
0xb1: {  	[sflag:s14] =	ssyncadd.s32 $0xFFFFF800  }
0xb2: {  	_ =	swait.ge [sflag:s14], $0x800  }
0xb3: {  	[sflag:s14] =	ssyncset.done $0x0  }
0xb4: {  	[sflag:s14] =	ssyncadd.s32 $0xFFFFF800  }
0xb5: {  	_ =	swait.ge [sflag:s14], $0x800  }
0xb6: {  	[sflag:s14] =	ssyncset.done $0x0  }
0xb7: {  	[sflag:s14] =	ssyncadd.s32 $0xFFFFF800  }
0xb8: {  	_ =	swait.ge [sflag:s14], $0x800  }
0xb9: {  	[sflag:s14] =	ssyncset.done $0x0  }
0xba: {  	[sflag:s14] =	ssyncadd.s32 $0xFFFFF800  }
0xbb: {  	_ =	swait.ge [sflag:s14], $0x800  }
0xbc: {  	[sflag:s14] =	ssyncset.done $0x0  }
0xbd: {  	[sflag:s14] =	ssyncadd.s32 $0xFFFFF800  }
0xbe: {  	_ =	swait.ge [sflag:s14], $0x800  }
0xbf: {  	[sflag:s14] =	ssyncset.done $0x0  }
0xc0: {  	[sflag:s14] =	ssyncadd.s32 $0xFFFFF800  }
0xc1: {  	_ =	swait.ge [sflag:s14], $0x800  }
0xc2: {  	[sflag:s14] =	ssyncset.done $0x0  }
0xc3: {  	[sflag:s14] =	ssyncadd.s32 $0xFFFFF800  }
0xc4: {  	_ =	swait.ge [sflag:s14], $0x800  }
0xc5: {  	[sflag:s14] =	ssyncset.done $0x0  }
0xc6: {  	[sflag:s14] =	ssyncadd.s32 $0xFFFFF800  }
0xc7: {  	_ =	swait.ge [sflag:s14], $0x800  }
0xc8: {  	[sflag:s14] =	ssyncset.done $0x0  }
0xc9: {  	[sflag:s14] =	ssyncadd.s32 $0xFFFFF800  }
0xca: {  	_ =	swait.ge [sflag:s14], $0x800  }
0xcb: {  	[sflag:s14] =	ssyncset.done $0x0  }
0xcc: {  	[sflag:s14] =	ssyncadd.s32 $0xFFFFF800  }
0xcd: {  	_ =	swait.ge [sflag:s14], $0x800  }
0xce: {  	[sflag:s14] =	ssyncset.done $0x0  }
0xcf: {  	[sflag:s14] =	ssyncadd.s32 $0xFFFFF800  }
0xd0: {  	_ =	swait.ge [sflag:s14], $0x800  }
0xd1: {  	[sflag:s14] =	ssyncset.done $0x0  }
0xd2: {  	[sflag:s14] =	ssyncadd.s32 $0xFFFFF800  }
0xd3: {  	_ =	swait.ge [sflag:s14], $0x800  }
0xd4: {  	[sflag:s14] =	ssyncset.done $0x0  }
0xd5: {  	[sflag:s14] =	ssyncadd.s32 $0xFFFFF800  }
0xd6: {  	_ =	swait.ge [sflag:s14], $0x800  }
0xd7: {  	[sflag:s14] =	ssyncset.done $0x0  }
0xd8: {  	[sflag:s14] =	ssyncadd.s32 $0xFFFFF800  }
0xd9: {  	_ =	swait.ge [sflag:s14], $0x800  }
0xda: {  	[sflag:s14] =	ssyncset.done $0x0  }
0xdb: {  	[sflag:s14] =	ssyncadd.s32 $0xFFFFF800  }
0xdc: {  	_ =	swait.ge [sflag:s14], $0x800  }
0xdd: {  	[sflag:s14] =	ssyncset.done $0x0  }
0xde: {  	[sflag:s14] =	ssyncadd.s32 $0xFFFFF800  }
0xdf: {  	_ =	swait.ge [sflag:s14], $0x800  }
0xe0: {  	[sflag:s14] =	ssyncset.done $0x0  }
0xe1: {  	[sflag:s14] =	ssyncadd.s32 $0xFFFFF800  }
0xe2: {  	_ =	swait.ge [sflag:s14], $0x800  }
0xe3: {  	[sflag:s14] =	ssyncset.done $0x0  }
0xe4: {  	[sflag:s14] =	ssyncadd.s32 $0xFFFFF800  }
0xe5: {  	_ =	swait.ge [sflag:s14], $0x800  }
0xe6: {  	[sflag:s14] =	ssyncset.done $0x0  }
0xe7: {  	[sflag:s14] =	ssyncadd.s32 $0xFFFFF800  }
0xe8: {  	_ =	swait.ge [sflag:s14], $0x800  }
0xe9: {  	[sflag:s14] =	ssyncset.done $0x0  }
0xea: {  	[sflag:s14] =	ssyncadd.s32 $0xFFFFF800  }
0xeb: {  	_ =	swait.ge [sflag:s14], $0x800  }
0xec: {  	[sflag:s14] =	ssyncset.done $0x0  }
0xed: {  	[sflag:s14] =	ssyncadd.s32 $0xFFFFF800  }
0xee: {  	_ =	swait.ge [sflag:s14], $0x800  }
0xef: {  	[sflag:s14] =	ssyncset.done $0x0  }
0xf0: {  	[sflag:s14] =	ssyncadd.s32 $0xFFFFF800  }
0xf1: {  	_ =	swait.ge [sflag:s14], $0x800  }
0xf2: {  	[sflag:s14] =	ssyncset.done $0x0  }
0xf3: {  	[sflag:s14] =	ssyncadd.s32 $0xFFFFF800  }
0xf4: {  	[bflag:$0x0] =	sbarrier.arrive $0xFFFF  }
0xf5: {  	_ =	swait.ge [sflag:s15], $0x2000  }
0xf6: {  	[sflag:s15] =	ssyncset.done $0x0  }
0xf7: {  	[sflag:s15] =	ssyncadd.s32 $0xFFFFE000  }
0xf8: {  	_ =	swait.ge [sflag:s15], $0x2000  }
0xf9: {  	[sflag:s15] =	ssyncset.done $0x0  }
0xfa: {  	[sflag:s15] =	ssyncadd.s32 $0xFFFFE000  }
0xfb: {  	[spmem:s3] =	stream.indirect.scatter.add.f32 [tilespmem:s10], [sflag:$0x2], $0x1, s1, s10, $0xb8;
	[tilespmem:$0x1C800] =	vst v63  }
0xfc: {  	s26 =	rddreg [dreg:$0x7]  }
0xfd: {  	[tilespmem:s16], [sflag:$0x5] =	stream.linear.gather [hbm4b:s26+s1], $0x2000, $0x38;
	[tilespmem:$0x1C800] =	vst v63  }
0xfe: {  	s28 =	rddreg [dreg:$0x8]  }
0xff: {  	[tilespmem:s17], [sflag:$0x5] =	stream.linear.gather [hbm4b:s28+s1], $0x2000, $0x38;
	[tilespmem:$0x1C800] =	vst v63  }
0x100: {  	_ =	swait.ge [sflag:s18], $0x2000  }
0x101: {  	[sflag:s18] =	ssyncset.done $0x0  }
0x102: {  	[sflag:s18] =	ssyncadd.s32 $0xFFFFE000  }
0x103: {  	_ =	swait.ge [sflag:s18], $0x2000  }
0x104: {  	[sflag:s18] =	ssyncset.done $0x0  }
0x105: {  	[sflag:s18] =	ssyncadd.s32 $0xFFFFE000  }
0x106: {  	[spmem:s3] =	stream.indirect.scatter.add.f32 [tilespmem:s12], [sflag:$0x4], $0x1, s11, s10, $0xb8;
	[tilespmem:$0x1C800] =	vst v63  }
0x107: {  	_ =	swait.ge [sflag:s19], $0x2000  }
0x108: {  	[sflag:s19] =	ssyncset.done $0x0  }
0x109: {  	s26 =	rddreg [dreg:$0x9];
	[sflag:s19] =	ssyncadd.s32 $0xFFFFE000  }
0x10a: {  	[tilespmem:s1], [sflag:$0x1] =	stream.linear.gather [hbm4b:s26+s1], $0x2000, $0x38;
	[tilespmem:$0x1C800] =	vst v63  }
0x10b: {  	s28 =	rddreg [dreg:$0xa]  }
0x10c: {  	[tilespmem:s10], [sflag:$0x1] =	stream.linear.gather [hbm4b:s28+s1], $0x2000, $0x38;
	[tilespmem:$0x1C800] =	vst v63  }
0x10d: {  	_ =	swait.ge [sflag:s20], $0x2000  }
0x10e: {  	[sflag:s20] =	ssyncset.done $0x0  }
0x10f: {  	[sflag:s20] =	ssyncadd.s32 $0xFFFFE000  }
0x110: {  	_ =	swait.ge [sflag:s20], $0x2000  }
0x111: {  	[sflag:s20] =	ssyncset.done $0x0  }
0x112: {  	[sflag:s20] =	ssyncadd.s32 $0xFFFFE000  }
0x113: {  	[spmem:s3] =	stream.indirect.scatter.add.f32 [tilespmem:s17], [sflag:$0x6], $0x1, s16, s10, $0xb8;
	[tilespmem:$0x1C800] =	vst v63  }
0x114: {  	_ =	swait.ge [sflag:s21], $0x2000  }
0x115: {  	[sflag:s21] =	ssyncset.done $0x0  }
0x116: {  	s26 =	rddreg [dreg:$0xb];
	[sflag:s21] =	ssyncadd.s32 $0xFFFFE000  }
0x117: {  	[tilespmem:s11], [sflag:$0x3] =	stream.linear.gather [hbm4b:s26+s1], $0x2000, $0x38;
	[tilespmem:$0x1C800] =	vst v63  }
0x118: {  	s28 =	rddreg [dreg:$0xc]  }
0x119: {  	[tilespmem:s12], [sflag:$0x3] =	stream.linear.gather [hbm4b:s28+s1], $0x2000, $0x38;
	[tilespmem:$0x1C800] =	vst v63  }
0x11a: {  	_ =	swait.ge [sflag:s15], $0x2000  }
0x11b: {  	[sflag:s15] =	ssyncset.done $0x0  }
0x11c: {  	[sflag:s15] =	ssyncadd.s32 $0xFFFFE000  }
0x11d: {  	_ =	swait.ge [sflag:s15], $0x2000  }
0x11e: {  	[sflag:s15] =	ssyncset.done $0x0  }
0x11f: {  	[sflag:s15] =	ssyncadd.s32 $0xFFFFE000  }
0x120: {  	[spmem:s3] =	stream.indirect.scatter.add.f32 [tilespmem:s10], [sflag:$0x2], $0x1, s1, s10, $0xb8;
	[tilespmem:$0x1C800] =	vst v63  }
0x121: {  	_ =	swait.ge [sflag:s22], $0x2000  }
0x122: {  	[sflag:s22] =	ssyncset.done $0x0  }
0x123: {  	s26 =	rddreg [dreg:$0xd];
	[sflag:s22] =	ssyncadd.s32 $0xFFFFE000  }
0x124: {  	[tilespmem:s16], [sflag:$0x5] =	stream.linear.gather [hbm4b:s26+s1], $0x2000, $0x38;
	[tilespmem:$0x1C800] =	vst v63  }
0x125: {  	s28 =	rddreg [dreg:$0xe]  }
0x126: {  	[tilespmem:s17], [sflag:$0x5] =	stream.linear.gather [hbm4b:s28+s1], $0x2000, $0x38;
	[tilespmem:$0x1C800] =	vst v63  }
0x127: {  	_ =	swait.ge [sflag:s18], $0x2000  }
0x128: {  	[sflag:s18] =	ssyncset.done $0x0  }
0x129: {  	[sflag:s18] =	ssyncadd.s32 $0xFFFFE000  }
0x12a: {  	_ =	swait.ge [sflag:s18], $0x2000  }
0x12b: {  	[sflag:s18] =	ssyncset.done $0x0  }
0x12c: {  	[sflag:s18] =	ssyncadd.s32 $0xFFFFE000  }
0x12d: {  	[spmem:s3] =	stream.indirect.scatter.add.f32 [tilespmem:s12], [sflag:$0x4], $0x1, s11, s10, $0xb8;
	[tilespmem:$0x1C800] =	vst v63  }
0x12e: {  	_ =	swait.ge [sflag:s19], $0x2000  }
0x12f: {  	[sflag:s19] =	ssyncset.done $0x0  }
0x130: {  	s26 =	rddreg [dreg:$0xf];
	[sflag:s19] =	ssyncadd.s32 $0xFFFFE000  }
0x131: {  	[tilespmem:s1], [sflag:$0x1] =	stream.linear.gather [hbm4b:s26+s1], $0x2000, $0x38;
	[tilespmem:$0x1C800] =	vst v63  }
0x132: {  	s28 =	rddreg [dreg:$0x10]  }
0x133: {  	[tilespmem:s10], [sflag:$0x1] =	stream.linear.gather [hbm4b:s28+s1], $0x2000, $0x38;
	[tilespmem:$0x1C800] =	vst v63  }
0x134: {  	_ =	swait.ge [sflag:s20], $0x2000  }
0x135: {  	[sflag:s20] =	ssyncset.done $0x0  }
0x136: {  	[sflag:s20] =	ssyncadd.s32 $0xFFFFE000  }
0x137: {  	_ =	swait.ge [sflag:s20], $0x2000  }
0x138: {  	[sflag:s20] =	ssyncset.done $0x0  }
0x139: {  	[sflag:s20] =	ssyncadd.s32 $0xFFFFE000  }
0x13a: {  	[spmem:s3] =	stream.indirect.scatter.add.f32 [tilespmem:s17], [sflag:$0x6], $0x1, s16, s10, $0xb8;
	[tilespmem:$0x1C800] =	vst v63  }
0x13b: {  	_ =	swait.ge [sflag:s21], $0x2000  }
0x13c: {  	[sflag:s21] =	ssyncset.done $0x0  }
0x13d: {  	s26 =	rddreg [dreg:$0x11];
	[sflag:s21] =	ssyncadd.s32 $0xFFFFE000  }
0x13e: {  	[tilespmem:s11], [sflag:$0x3] =	stream.linear.gather [hbm4b:s26+s1], $0x2000, $0x38;
	[tilespmem:$0x1C800] =	vst v63  }
0x13f: {  	s28 =	rddreg [dreg:$0x12]  }
0x140: {  	[tilespmem:s12], [sflag:$0x3] =	stream.linear.gather [hbm4b:s28+s1], $0x2000, $0x38;
	[tilespmem:$0x1C800] =	vst v63  }
0x141: {  	_ =	swait.ge [sflag:s15], $0x2000  }
0x142: {  	[sflag:s15] =	ssyncset.done $0x0  }
0x143: {  	[sflag:s15] =	ssyncadd.s32 $0xFFFFE000  }
0x144: {  	_ =	swait.ge [sflag:s15], $0x2000  }
0x145: {  	[sflag:s15] =	ssyncset.done $0x0  }
0x146: {  	[sflag:s15] =	ssyncadd.s32 $0xFFFFE000  }
0x147: {  	[spmem:s3] =	stream.indirect.scatter.add.f32 [tilespmem:s10], [sflag:$0x2], $0x1, s1, s10, $0xb8;
	[tilespmem:$0x1C800] =	vst v63  }
0x148: {  	_ =	swait.ge [sflag:s22], $0x2000  }
0x149: {  	[sflag:s22] =	ssyncset.done $0x0  }
0x14a: {  	s26 =	rddreg [dreg:$0x13];
	[sflag:s22] =	ssyncadd.s32 $0xFFFFE000  }
0x14b: {  	[tilespmem:s16], [sflag:$0x5] =	stream.linear.gather [hbm4b:s26+s1], $0x2000, $0x38;
	[tilespmem:$0x1C800] =	vst v63  }
0x14c: {  	s28 =	rddreg [dreg:$0x14]  }
0x14d: {  	[tilespmem:s17], [sflag:$0x5] =	stream.linear.gather [hbm4b:s28+s1], $0x2000, $0x38;
	[tilespmem:$0x1C800] =	vst v63  }
0x14e: {  	_ =	swait.ge [sflag:s18], $0x2000  }
0x14f: {  	[sflag:s18] =	ssyncset.done $0x0  }
0x150: {  	[sflag:s18] =	ssyncadd.s32 $0xFFFFE000  }
0x151: {  	_ =	swait.ge [sflag:s18], $0x2000  }
0x152: {  	[sflag:s18] =	ssyncset.done $0x0  }
0x153: {  	[sflag:s18] =	ssyncadd.s32 $0xFFFFE000  }
0x154: {  	[spmem:s3] =	stream.indirect.scatter.add.f32 [tilespmem:s12], [sflag:$0x4], $0x1, s11, s10, $0xb8;
	[tilespmem:$0x1C800] =	vst v63  }
0x155: {  	_ =	swait.ge [sflag:s19], $0x2000  }
0x156: {  	[sflag:s19] =	ssyncset.done $0x0  }
0x157: {  	s26 =	rddreg [dreg:$0x15];
	[sflag:s19] =	ssyncadd.s32 $0xFFFFE000  }
0x158: {  	[tilespmem:s1], [sflag:$0x1] =	stream.linear.gather [hbm4b:s26+s1], $0x2000, $0x38;
	[tilespmem:$0x1C800] =	vst v63  }
0x159: {  	s28 =	rddreg [dreg:$0x16]  }
0x15a: {  	[tilespmem:s10], [sflag:$0x1] =	stream.linear.gather [hbm4b:s28+s1], $0x2000, $0x38;
	[tilespmem:$0x1C800] =	vst v63  }
0x15b: {  	_ =	swait.ge [sflag:s20], $0x2000  }
0x15c: {  	[sflag:s20] =	ssyncset.done $0x0  }
0x15d: {  	[sflag:s20] =	ssyncadd.s32 $0xFFFFE000  }
0x15e: {  	_ =	swait.ge [sflag:s20], $0x2000  }
0x15f: {  	[sflag:s20] =	ssyncset.done $0x0  }
0x160: {  	[sflag:s20] =	ssyncadd.s32 $0xFFFFE000  }
0x161: {  	[spmem:s3] =	stream.indirect.scatter.add.f32 [tilespmem:s17], [sflag:$0x6], $0x1, s16, s10, $0xb8;
	[tilespmem:$0x1C800] =	vst v63  }
0x162: {  	_ =	swait.ge [sflag:s21], $0x2000  }
0x163: {  	[sflag:s21] =	ssyncset.done $0x0  }
0x164: {  	s26 =	rddreg [dreg:$0x17];
	[sflag:s21] =	ssyncadd.s32 $0xFFFFE000  }
0x165: {  	[tilespmem:s11], [sflag:$0x3] =	stream.linear.gather [hbm4b:s26+s1], $0x2000, $0x38;
	[tilespmem:$0x1C800] =	vst v63  }
0x166: {  	s28 =	rddreg [dreg:$0x18]  }
0x167: {  	[tilespmem:s12], [sflag:$0x3] =	stream.linear.gather [hbm4b:s28+s1], $0x2000, $0x38;
	[tilespmem:$0x1C800] =	vst v63  }
0x168: {  	_ =	swait.ge [sflag:s15], $0x2000  }
0x169: {  	[sflag:s15] =	ssyncset.done $0x0  }
0x16a: {  	[sflag:s15] =	ssyncadd.s32 $0xFFFFE000  }
0x16b: {  	_ =	swait.ge [sflag:s15], $0x2000  }
0x16c: {  	[sflag:s15] =	ssyncset.done $0x0  }
0x16d: {  	[sflag:s15] =	ssyncadd.s32 $0xFFFFE000  }
0x16e: {  	[spmem:s3] =	stream.indirect.scatter.add.f32 [tilespmem:s10], [sflag:$0x2], $0x1, s1, s10, $0xb8;
	[tilespmem:$0x1C800] =	vst v63  }
0x16f: {  	_ =	swait.ge [sflag:s22], $0x2000  }
0x170: {  	[sflag:s22] =	ssyncset.done $0x0  }
0x171: {  	s26 =	rddreg [dreg:$0x19];
	[sflag:s22] =	ssyncadd.s32 $0xFFFFE000  }
0x172: {  	[tilespmem:s16], [sflag:$0x5] =	stream.linear.gather [hbm4b:s26+s1], $0x2000, $0x38;
	[tilespmem:$0x1C800] =	vst v63  }
0x173: {  	s28 =	rddreg [dreg:$0x1a]  }
0x174: {  	[tilespmem:s17], [sflag:$0x5] =	stream.linear.gather [hbm4b:s28+s1], $0x2000, $0x38;
	[tilespmem:$0x1C800] =	vst v63  }
0x175: {  	_ =	swait.ge [sflag:s18], $0x2000  }
0x176: {  	[sflag:s18] =	ssyncset.done $0x0  }
0x177: {  	[sflag:s18] =	ssyncadd.s32 $0xFFFFE000  }
0x178: {  	_ =	swait.ge [sflag:s18], $0x2000  }
0x179: {  	[sflag:s18] =	ssyncset.done $0x0  }
0x17a: {  	[sflag:s18] =	ssyncadd.s32 $0xFFFFE000  }
0x17b: {  	[spmem:s3] =	stream.indirect.scatter.add.f32 [tilespmem:s12], [sflag:$0x4], $0x1, s11, s10, $0xb8;
	[tilespmem:$0x1C800] =	vst v63  }
0x17c: {  	_ =	swait.ge [sflag:s19], $0x2000  }
0x17d: {  	[sflag:s19] =	ssyncset.done $0x0  }
0x17e: {  	s26 =	rddreg [dreg:$0x1b];
	[sflag:s19] =	ssyncadd.s32 $0xFFFFE000  }
0x17f: {  	[tilespmem:s1], [sflag:$0x1] =	stream.linear.gather [hbm4b:s26+s1], $0x2000, $0x38;
	[tilespmem:$0x1C800] =	vst v63  }
0x180: {  	s28 =	rddreg [dreg:$0x1c]  }
0x181: {  	[tilespmem:s10], [sflag:$0x1] =	stream.linear.gather [hbm4b:s28+s1], $0x2000, $0x38;
	[tilespmem:$0x1C800] =	vst v63  }
0x182: {  	_ =	swait.ge [sflag:s20], $0x2000  }
0x183: {  	[sflag:s20] =	ssyncset.done $0x0  }
0x184: {  	[sflag:s20] =	ssyncadd.s32 $0xFFFFE000  }
0x185: {  	_ =	swait.ge [sflag:s20], $0x2000  }
0x186: {  	[sflag:s20] =	ssyncset.done $0x0  }
0x187: {  	[sflag:s20] =	ssyncadd.s32 $0xFFFFE000  }
0x188: {  	[spmem:s3] =	stream.indirect.scatter.add.f32 [tilespmem:s17], [sflag:$0x6], $0x1, s16, s10, $0xb8;
	[tilespmem:$0x1C800] =	vst v63  }
0x189: {  	_ =	swait.ge [sflag:s21], $0x2000  }
0x18a: {  	[sflag:s21] =	ssyncset.done $0x0  }
0x18b: {  	s26 =	rddreg [dreg:$0x1d];
	[sflag:s21] =	ssyncadd.s32 $0xFFFFE000  }
0x18c: {  	[tilespmem:s11], [sflag:$0x3] =	stream.linear.gather [hbm4b:s26+s1], $0x2000, $0x38;
	[tilespmem:$0x1C800] =	vst v63  }
0x18d: {  	s28 =	rddreg [dreg:$0x1e]  }
0x18e: {  	[tilespmem:s12], [sflag:$0x3] =	stream.linear.gather [hbm4b:s28+s1], $0x2000, $0x38;
	[tilespmem:$0x1C800] =	vst v63  }
0x18f: {  	_ =	swait.ge [sflag:s15], $0x2000  }
0x190: {  	[sflag:s15] =	ssyncset.done $0x0  }
0x191: {  	[sflag:s15] =	ssyncadd.s32 $0xFFFFE000  }
0x192: {  	_ =	swait.ge [sflag:s15], $0x2000  }
0x193: {  	[sflag:s15] =	ssyncset.done $0x0  }
0x194: {  	[sflag:s15] =	ssyncadd.s32 $0xFFFFE000  }
0x195: {  	[spmem:s3] =	stream.indirect.scatter.add.f32 [tilespmem:s10], [sflag:$0x2], $0x1, s1, s10, $0xb8;
	[tilespmem:$0x1C800] =	vst v63  }
0x196: {  	_ =	swait.ge [sflag:s22], $0x2000  }
0x197: {  	s26 =	sld [smem:$0x7E3]  }
0x198: {  	[sflag:s22] =	ssyncset.done $0x0  }
0x199: {  	s28 =	sld [smem:$0x7E4];
	[sflag:s22] =	ssyncadd.s32 $0xFFFFE000  }
0x19a: {  	[tilespmem:s16], [sflag:$0x5] =	stream.linear.gather [hbm4b:s26+s1], $0x2000, $0x38;
	[tilespmem:$0x1C800] =	vst v63  }
0x19b: {  	_ = 	snop  }
0x19c: {  	[tilespmem:s17], [sflag:$0x5] =	stream.linear.gather [hbm4b:s28+s1], $0x2000, $0x38;
	[tilespmem:$0x1C800] =	vst v63  }
0x19d: {  	_ =	swait.ge [sflag:s18], $0x2000  }
0x19e: {  	[sflag:s18] =	ssyncset.done $0x0  }
0x19f: {  	[sflag:s18] =	ssyncadd.s32 $0xFFFFE000  }
0x1a0: {  	_ =	swait.ge [sflag:s18], $0x2000  }
0x1a1: {  	[sflag:s18] =	ssyncset.done $0x0  }
0x1a2: {  	[sflag:s18] =	ssyncadd.s32 $0xFFFFE000  }
0x1a3: {  	[spmem:s3] =	stream.indirect.scatter.add.f32 [tilespmem:s12], [sflag:$0x4], $0x1, s11, s10, $0xb8;
	[tilespmem:$0x1C800] =	vst v63  }
0x1a4: {  	_ =	swait.ge [sflag:s19], $0x2000  }
0x1a5: {  	s26 =	sld [smem:$0x7E5]  }
0x1a6: {  	[sflag:s19] =	ssyncset.done $0x0  }
0x1a7: {  	s28 =	sld [smem:$0x7E6];
	[sflag:s19] =	ssyncadd.s32 $0xFFFFE000  }
0x1a8: {  	[tilespmem:s1], [sflag:$0x1] =	stream.linear.gather [hbm4b:s26+s1], $0x2000, $0x38;
	[tilespmem:$0x1C800] =	vst v63  }
0x1a9: {  	_ = 	snop  }
0x1aa: {  	[tilespmem:s10], [sflag:$0x1] =	stream.linear.gather [hbm4b:s28+s1], $0x2000, $0x38;
	[tilespmem:$0x1C800] =	vst v63  }
0x1ab: {  	_ =	swait.ge [sflag:s20], $0x2000  }
0x1ac: {  	[sflag:s20] =	ssyncset.done $0x0  }
0x1ad: {  	[sflag:s20] =	ssyncadd.s32 $0xFFFFE000  }
0x1ae: {  	_ =	swait.ge [sflag:s20], $0x2000  }
0x1af: {  	[sflag:s20] =	ssyncset.done $0x0  }
0x1b0: {  	[sflag:s20] =	ssyncadd.s32 $0xFFFFE000  }
0x1b1: {  	[spmem:s3] =	stream.indirect.scatter.add.f32 [tilespmem:s17], [sflag:$0x6], $0x1, s16, s10, $0xb8;
	[tilespmem:$0x1C800] =	vst v63  }
0x1b2: {  	_ =	swait.ge [sflag:s15], $0x2000  }
0x1b3: {  	[sflag:s15] =	ssyncset.done $0x0  }
0x1b4: {  	[sflag:s15] =	ssyncadd.s32 $0xFFFFE000  }
0x1b5: {  	_ =	swait.ge [sflag:s15], $0x2000  }
0x1b6: {  	[sflag:s15] =	ssyncset.done $0x0  }
0x1b7: {  	[sflag:s15] =	ssyncadd.s32 $0xFFFFE000  }
0x1b8: {  	[spmem:s3] =	stream.indirect.scatter.add.f32 [tilespmem:s10], [sflag:$0x2], $0x1, s1, s10, $0xb8;
	[tilespmem:$0x1C800] =	vst v63  }
0x1b9: {  	_ =	swait.ge [sflag:s21], $0x2000  }
0x1ba: {  	[sflag:s21] =	ssyncset.done $0x0  }
0x1bb: {  	[sflag:s21] =	ssyncadd.s32 $0xFFFFE000  }
0x1bc: {  	_ =	swait.ge [sflag:s22], $0x2000  }
0x1bd: {  	[sflag:s22] =	ssyncset.done $0x0  }
0x1be: {  	[sflag:s22] =	ssyncadd.s32 $0xFFFFE000  }
0x1bf: {  	_ =	swait.ge [sflag:s19], $0x2000  }
0x1c0: {  	[sflag:s19] =	ssyncset.done $0x0  }
0x1c1: {  	[sflag:s19] =	ssyncadd.s32 $0xFFFFE000  }
0x1c2: {  	[bflag:$0x0] =	sbarrier.arrive $0xFFFF  }
0x1c3: {  	s26 =	stileid.u32;
	s28 =	sld [smem:$0x7E7]  }
0x1c4: {  	s25 =	sshll.u32 s26, $0x6  }
0x1c5: {  	s26 =	sshrl.u32 s5, $0x3;
	s25 =	sor.u32 $0x1C08, s25  }
0x1c6: {  	[hbm:s28], [sflag:s25] =	dma.local [spmem:s26], $0x2000  }
0x1c7: {  	_ =	swait.ge [sflag:s23], $0x2000  }
0x1c8: {  	s28 =	sld [smem:$0x7E8];
	_ =	sdelay $0x1  }
0x1c9: {  	s24 =	sadd.s32 $0x1, s24  }
0x1ca: {  	p0 =	sne.s32 s24, s28  }
.Ltmp1:
0x1cb: {  	_ = 	snop;
	(pc) =	sbr.rel @p0 .LBB2_1-.Ltmp1, $3  }
0x1cc: {  	_ =	sdelay $0x1  }
0x1cd: {  	[sflag:s23] =	ssyncset.done $0x0  }
0x1ce: {  	[sflag:s23] =	ssyncadd.s32 $0xFFFFE000  }
0x1cf: {  	_ =	sfence.sel $0x180000  }
0x1d0: {  	[bflag:$0x0] =	sbarrier.arrive $0xFFFF  }
0x1d1: {  	_ =	strace $0x90000047  }
0x1d2: {  	s0 =	stileid.u32;
	[bflag:$0x2] =	sbarrier.arrive $0xFFFF  }
0x1d3: {  	p0 =	sne.s32 s0, $0x0;
	s0 =	rddreg [dreg:$0x4]  }
0x1d4: {  	s0 =	sadd.s32 @!p0 $0x100000, s0  }
0x1d5: {  	[sflag:s0] =	ssyncadd.tile.s32 @!p0 $0x1;
	_ =	shalt  }
.Lfunc_end2:
_tile_overlayer_lowered:
.L_overlay_start_2:
0x1d6: {  	(tag) =	ssettag $0x2  }
0x1d7: {  	s0 =	rddreg [dreg:$0x0];
	s2 =	stileid.u32  }
0x1d8: {  	s1 =	rddreg [dreg:$0x1];
	p0 =	sne.s32 s2, $0x0  }
0x1d9: {  	s3 =	rddreg [dreg:$0x2];
	[bflag:$0x3] =	sbarrier.arrive $0xFFFF;
	s2 =	simm.s32 @!p0 $0x1C08  }
0x1da: {  	[timem:s3], [sflag:s2] =	dma.local @!p0 [hbm:s0], s1  }
0x1db: {  	s0 =	simm.s32 @!p0 $0x8  }
0x1dc: {  	_ =	swait.ge @!p0 [sflag:s0], s1  }
0x1dd: {  	s1 =	ssub.s32 @!p0 $0x0, s1;
	[sflag:s0] =	ssyncset.done @!p0 $0x0  }
0x1de: {  	[sflag:s0] =	ssyncadd.s32 @!p0 s1  }
0x1df: {  	[bflag:$0x3] =	sbarrier.arrive $0xFFFF  }
0x1e0: {  	_ =	shalt  }

</sc_bundles>
